<compile_context>
chip_gen: v7x
topology: tpu7x:2x2x1
jax: 0.10.2.dev20260603
libtpu: 0.0.44.dev20260713+nightly
codegen_flags: <defaults>
</compile_context>

<pallas_src>
import functools

import jax
import jax.numpy as jnp
from jax.experimental import pallas as pl
from jax.experimental.pallas import tpu as pltpu
from jax.experimental.pallas import tpu_sc as plsc

MERGE_MARGIN = 0.05
DRIFT_RATE = 0.01
EPS = 1e-8

_BLOCK = 5000
_FIX_BLOCK = 8


def _scan_body(da_ref, keys_ref, key_col_ref, ones_col_ref, key_ref,
               keys_z_ref, sim_ref, stats_ref,
               acc_ref, cnt_ref, first_ref):
    i = pl.program_id(0)
    nb = pl.num_programs(0)
    block = keys_ref.shape[0]
    m_total = nb * block

    @pl.when(i == 0)
    def _():
        acc_ref[...] = jnp.zeros_like(acc_ref)
        cnt_ref[0] = 0.0
        first_ref[0] = m_total

    x = keys_ref[...]
    dot = jnp.dot(x, key_col_ref[...])
    nsq = jnp.dot(x * x, ones_col_ref[...])
    kv = key_ref[0, :]
    kn = jnp.maximum(jnp.sqrt(jnp.sum(kv * kv)), EPS)
    inv_tn = jax.lax.rsqrt(jnp.maximum(nsq, EPS * EPS))
    sim = dot * (inv_tn * (1.0 / kn))
    sim_dense = sim.reshape(1, block)
    sim_ref[0, :, :] = sim_dense

    matched = sim >= (1.0 - MERGE_MARGIN)
    keys_z_ref[...] = jnp.where(matched, 0.0, x)

    matched_d = sim_dense >= (1.0 - MERGE_MARGIN)
    n_here = jnp.sum(matched_d.astype(jnp.float32))

    @pl.when(n_here > 0.0)
    def _():
        acc_ref[0:1, :] += jnp.sum(jnp.where(matched, x, 0.0), axis=0)[None, :]
        cnt_ref[0] += n_here
        idx = i * block + jax.lax.broadcasted_iota(jnp.int32, (1, block), 1)
        lf = jnp.min(jnp.where(matched_d, idx, m_total))
        first_ref[0] = jnp.minimum(first_ref[0], lf)

    @pl.when(i == nb - 1)
    def _():
        lane = jax.lax.broadcasted_iota(jnp.int32, (1, key_ref.shape[1]), 1)
        row1 = jnp.where(lane == 0, cnt_ref[0],
                         jnp.where(lane == 1,
                                   first_ref[0].astype(jnp.float32), 0.0))
        stats_ref[0:1, :] = acc_ref[0:1, :]
        stats_ref[1:2, :] = row1


def _fix_body(scal_ref, kz_ref, stats_ref, key_ref, st_ref, val_ref,
              kout_ref, sout_ref):
    addr = scal_ref[0]
    any_match = scal_ref[1]
    cnt = jnp.maximum(scal_ref[2].astype(jnp.float32), 1.0)
    sumv = stats_ref[0:1, :]
    kv = key_ref[...]
    merged = (sumv / cnt) * (1.0 - DRIFT_RATE) + kv * DRIFT_RATE
    wv = jnp.where(any_match > 0, merged, kv)
    kout_ref[...] = kz_ref[...]
    loc = addr - (addr // _FIX_BLOCK) * _FIX_BLOCK
    kout_ref[pl.ds(loc, 1), :] = wv
    sout_ref[...] = st_ref[...]
    da = scal_ref[3]
    loc2 = da - (da // _FIX_BLOCK) * _FIX_BLOCK
    sout_ref[pl.ds(loc2, 1), :] = val_ref[...]


_SC_CORES = 2
_SC_SUBCORES = 16
_SC_WORKERS = _SC_CORES * _SC_SUBCORES


_SC_CHUNK = 128


def _sc_storage_copy(storage):
    m, d = storage.shape
    full = m // _SC_CHUNK
    tail = m - full * _SC_CHUNK
    kmax = -(-full // _SC_WORKERS)
    if m % 8 != 0 or full < _SC_WORKERS:
        return None

    @functools.partial(
        pl.kernel,
        mesh=plsc.VectorSubcoreMesh(core_axis_name="c", subcore_axis_name="s"),
        out_type=jax.ShapeDtypeStruct((m, d), storage.dtype),
        scratch_types=[
            pltpu.VMEM((_SC_CHUNK, d), storage.dtype),
            pltpu.VMEM((_SC_CHUNK, d), storage.dtype),
            pltpu.SemaphoreType.DMA,
            pltpu.SemaphoreType.DMA,
        ],
    )
    def _copy(st_hbm, out_hbm, buf0, buf1, sem0, sem1):
        wid = (jax.lax.axis_index("s") * _SC_CORES
               + jax.lax.axis_index("c"))
        for k in range(kmax):
            buf, sem = (buf0, sem0) if k % 2 == 0 else (buf1, sem1)
            c = wid + k * _SC_WORKERS
            start = c * _SC_CHUNK

            @pl.when(c < full)
            def _():
                pltpu.async_copy(st_hbm.at[pl.ds(start, _SC_CHUNK)],
                                 buf, sem).wait()
                pltpu.async_copy(buf, out_hbm.at[pl.ds(start, _SC_CHUNK)],
                                 sem).wait()

        if tail > 0:
            @pl.when(wid == full % _SC_WORKERS)
            def _():
                start = full * _SC_CHUNK
                pltpu.async_copy(st_hbm.at[pl.ds(start, tail)],
                                 buf0.at[pl.ds(0, tail)], sem0).wait()
                pltpu.async_copy(buf0.at[pl.ds(0, tail)],
                                 out_hbm.at[pl.ds(start, tail)], sem0).wait()

    return _copy(storage)


def kernel(key, value, keys, storage, free_idx, data_addr):
    m, d = keys.shape
    block = _BLOCK if m % _BLOCK == 0 else 8
    nb = m // block

    key2 = key.reshape(1, d).astype(jnp.float32)
    key_col = key.reshape(d, 1).astype(jnp.float32)
    ones_col = jnp.ones((d, 1), jnp.float32)
    value2 = value.reshape(1, d).astype(jnp.float32)
    da = jnp.asarray(data_addr, jnp.int32).reshape(1)

    grid_spec = pltpu.PrefetchScalarGridSpec(
        num_scalar_prefetch=1,
        grid=(nb,),
        in_specs=[
            pl.BlockSpec((block, d), lambda i, s: (i, 0)),
            pl.BlockSpec((d, 1), lambda i, s: (0, 0)),
            pl.BlockSpec((d, 1), lambda i, s: (0, 0)),
            pl.BlockSpec((1, d), lambda i, s: (0, 0)),
        ],
        out_specs=[
            pl.BlockSpec((block, d), lambda i, s: (i, 0)),
            pl.BlockSpec((1, 1, block), lambda i, s: (i, 0, 0)),
            pl.BlockSpec((8, d), lambda i, s: (0, 0)),
        ],
        scratch_shapes=[
            pltpu.VMEM((8, d), jnp.float32),
            pltpu.SMEM((1,), jnp.float32),
            pltpu.SMEM((1,), jnp.int32),
        ],
    )
    keys_z, sim2, stats = pl.pallas_call(
        _scan_body,
        grid_spec=grid_spec,
        out_shape=[
            jax.ShapeDtypeStruct((m, d), jnp.float32),
            jax.ShapeDtypeStruct((nb, 1, block), jnp.float32),
            jax.ShapeDtypeStruct((8, d), jnp.float32),
        ],
    )(da, keys, key_col, ones_col, key2)

    count_f = stats[1, 0]
    first_i = stats[1, 1].astype(jnp.int32)
    any_i = (count_f > 0.5).astype(jnp.int32)
    addr = jnp.where(any_i == 1, first_i, jnp.asarray(free_idx, jnp.int32))
    scal = jnp.stack([addr, any_i, count_f.astype(jnp.int32),
                      jnp.asarray(data_addr, jnp.int32)])

    fix_spec = pltpu.PrefetchScalarGridSpec(
        num_scalar_prefetch=1,
        grid=(1,),
        in_specs=[
            pl.BlockSpec((_FIX_BLOCK, d), lambda i, s: (s[0] // _FIX_BLOCK, 0)),
            pl.BlockSpec((8, d), lambda i, s: (0, 0)),
            pl.BlockSpec((1, d), lambda i, s: (0, 0)),
            pl.BlockSpec((_FIX_BLOCK, d), lambda i, s: (s[3] // _FIX_BLOCK, 0)),
            pl.BlockSpec((1, d), lambda i, s: (0, 0)),
        ],
        out_specs=[
            pl.BlockSpec((_FIX_BLOCK, d), lambda i, s: (s[0] // _FIX_BLOCK, 0)),
            pl.BlockSpec((_FIX_BLOCK, d), lambda i, s: (s[3] // _FIX_BLOCK, 0)),
        ],
    )
    storage_c = _sc_storage_copy(storage)
    if storage_c is None:
        storage_c = storage
    keys_out, storage_out = pl.pallas_call(
        _fix_body,
        grid_spec=fix_spec,
        out_shape=[
            jax.ShapeDtypeStruct((m, d), jnp.float32),
            jax.ShapeDtypeStruct((m, d), jnp.float32),
        ],
        input_output_aliases={1: 0, 4: 1},
    )(scal, keys_z, stats, key2, storage_c, value2)

    return keys_out, storage_out, sim2.reshape(m)

# --- scband reference (transcript-rebuilt; emitter-appended) ---
"""Pipeline reference for scband-memory-53730040873073 (READ-ONLY COPY).

The authoritative reference and input builder live on the scoring server;
editing this copy changes nothing except your own understanding.
"""

import jax, jax.numpy as jnp
import numpy as np

M = 100000
D = 128
MERGE_MARGIN = 0.05
DRIFT_RATE = 0.01
EPS = 1e-8


def setup_inputs() -> dict:
    rng = jax.random.key(0)
    k1, k2, k3 = jax.random.split(rng, 3)
    M_used = M // 2
    keys_tab = jax.random.normal(k1, (M_used, D), dtype=jnp.float32)
    keys_tab = keys_tab / jnp.maximum(jnp.linalg.norm(keys_tab, axis=1, keepdims=True), EPS)
    keys_tab = jnp.concatenate([keys_tab, jnp.zeros((M - M_used, D), jnp.float32)], axis=0)
    storage = jnp.zeros((M, D), dtype=jnp.float32)
    noise = jax.random.normal(k2, (D,), dtype=jnp.float32)
    # query key close to an existing stored key so the merge path is exercised
    query = keys_tab[123] + 0.01 * noise
    value = jax.random.normal(k3, (D,), dtype=jnp.float32)
    return {
        "key": query,
        "value": value,
        "keys": keys_tab,
        "storage": storage,
        "free_idx": M_used,
        "data_addr": 777,
    }


def reference(key, value, keys, storage, free_idx, data_addr):
    # Faithful jax translation of Memory.put() for a single key.
    # normalizer(key) == 1.0 in the reference module, so key /= 1.0 is a no-op.
    thresh = 1.0 - MERGE_MARGIN
    # nn.CosineSimilarity(dim=1, eps=1e-8) of key broadcast against all stored keys
    kn = jnp.maximum(jnp.linalg.norm(key), EPS)
    tn = jnp.maximum(jnp.linalg.norm(keys, axis=1), EPS)
    sim = (keys @ key) / (tn * kn)
    matched = sim >= thresh  # [M] bool, _match_key
    any_match = jnp.any(matched)
    # _merge_keys: mean of all matched keys, moving-average with new key
    count = jnp.maximum(jnp.sum(matched.astype(jnp.float32)), 1.0)
    matched_mean = jnp.sum(jnp.where(matched[:, None], keys, 0.0), axis=0) / count
    merged = matched_mean * (1.0 - DRIFT_RATE) + key * DRIFT_RATE
    # merged /= normalizer(merged) == 1.0 -> no-op
    first_match = jnp.argmax(matched)  # first True index (inode of old_keys[0])
    addr = jnp.where(any_match, first_match, free_idx)
    write_val = jnp.where(any_match, merged, key)
    # zero all matched slots (old keys recycled), then scatter-overwrite at addr
    keys_out = jnp.where(matched[:, None], 0.0, keys)
    keys_out = keys_out.at[addr].set(write_val)
    # attribute payload write: scatter-overwrite into storage at data_addr
    storage_out = storage.at[data_addr].set(value)
    return keys_out, storage_out, sim

if __name__ == "__main__":
    import jax
    _d = setup_inputs()
    print(jax.jit(kernel)(*tuple(_d.values())))

</pallas_src>

<mosaic_0001>
#map = affine_map<(d0, d1) -> (0, 0)>
module attributes {stable_mosaic.version = 14 : i64} {
  func.func @_copy(%arg0: i32, %arg1: i32, %arg2: memref<100000x128xf32, #tpu.memory_space<hbm>>, %arg3: memref<100000x128xf32, #tpu.memory_space<hbm>>, %arg4: memref<128x128xf32, #tpu.memory_space<vmem>>, %arg5: memref<128x128xf32, #tpu.memory_space<vmem>>, %arg6: memref<!tpu.dma_semaphore, #tpu.memory_space<semaphore_mem>>, %arg7: memref<!tpu.dma_semaphore, #tpu.memory_space<semaphore_mem>>) attributes {dimension_semantics = [#tpu.dimension_semantics<core_parallel>, #tpu.dimension_semantics<subcore_parallel>], iteration_bounds = array<i64: 2, 16>, scalar_prefetch = 0 : i64, scratch_operands = 4 : i64, tpu.core_type = #tpu.core_type<sc_vector_subcore>, window_params = [{transform_indices = #map}, {transform_indices = #map}]} {
    %mul3A = arith.constant 2 : i32
    %mul3A_0 = arith.muli %arg1, %mul3A : i32
    %add3A = arith.addi %mul3A_0, %arg0 : i32
    %add3A_1 = arith.constant 0 : i32
    %add3A_2 = arith.addi %add3A, %add3A_1 : i32
    %mul3A_3 = arith.constant 128 : i32
    %mul3A_4 = arith.muli %add3A_2, %mul3A_3 : i32
    %lt3A = arith.constant 781 : i32
    %lt3A_5 = arith.cmpi slt, %add3A_2, %lt3A : i32
    %convert_element_type3A = arith.extui %lt3A_5 : i1 to i32
    %cond3A = arith.constant 0 : i32
    %cond3A_6 = arith.cmpi ne, %convert_element_type3A, %cond3A : i32
    scf.if %cond3A_6 {
      %dma_start3A = arith.constant 0 : i32
      %dma_start3A_227 = tpu.memref_slice %arg2[%mul3A_4, %dma_start3A] : memref<100000x128xf32, #tpu.memory_space<hbm>> -> memref<128x128xf32, #tpu.memory_space<hbm>>
      %dma_start3A_228 = arith.constant 0 : i32
      %dma_start3A_229 = tpu.memref_slice %arg2[%mul3A_4, %dma_start3A_228] : memref<100000x128xf32, #tpu.memory_space<hbm>> -> memref<128x128xf32, #tpu.memory_space<hbm>>
      tpu.enqueue_dma source(%dma_start3A_229 : memref<128x128xf32, #tpu.memory_space<hbm>>) target(%arg4 : memref<128x128xf32, #tpu.memory_space<vmem>>) target_semaphore(%arg6 : memref<!tpu.dma_semaphore, #tpu.memory_space<semaphore_mem>>)
      %dma_wait3A = arith.constant 0 : i32
      %dma_wait3A_230 = tpu.memref_slice %arg2[%mul3A_4, %dma_wait3A] : memref<100000x128xf32, #tpu.memory_space<hbm>> -> memref<128x128xf32, #tpu.memory_space<hbm>>
      %dma_wait3A_231 = arith.constant 0 : i32
      %dma_wait3A_232 = tpu.memref_slice %arg2[%mul3A_4, %dma_wait3A_231] : memref<100000x128xf32, #tpu.memory_space<hbm>> -> memref<128x128xf32, #tpu.memory_space<hbm>>
      tpu.wait_dma2 semaphore(%arg6 : memref<!tpu.dma_semaphore, #tpu.memory_space<semaphore_mem>>) src(%dma_wait3A_232 : memref<128x128xf32, #tpu.memory_space<hbm>>) dst(%arg4 : memref<128x128xf32, #tpu.memory_space<vmem>>)
      %dma_start3A_233 = arith.constant 0 : i32
      %dma_start3A_234 = tpu.memref_slice %arg3[%mul3A_4, %dma_start3A_233] : memref<100000x128xf32, #tpu.memory_space<hbm>> -> memref<128x128xf32, #tpu.memory_space<hbm>>
      %dma_start3A_235 = arith.constant 0 : i32
      %dma_start3A_236 = tpu.memref_slice %arg3[%mul3A_4, %dma_start3A_235] : memref<100000x128xf32, #tpu.memory_space<hbm>> -> memref<128x128xf32, #tpu.memory_space<hbm>>
      tpu.enqueue_dma source(%arg4 : memref<128x128xf32, #tpu.memory_space<vmem>>) target(%dma_start3A_236 : memref<128x128xf32, #tpu.memory_space<hbm>>) target_semaphore(%arg6 : memref<!tpu.dma_semaphore, #tpu.memory_space<semaphore_mem>>)
      %dma_wait3A_237 = arith.constant 0 : i32
      %dma_wait3A_238 = tpu.memref_slice %arg3[%mul3A_4, %dma_wait3A_237] : memref<100000x128xf32, #tpu.memory_space<hbm>> -> memref<128x128xf32, #tpu.memory_space<hbm>>
      %dma_wait3A_239 = arith.constant 0 : i32
      %dma_wait3A_240 = tpu.memref_slice %arg3[%mul3A_4, %dma_wait3A_239] : memref<100000x128xf32, #tpu.memory_space<hbm>> -> memref<128x128xf32, #tpu.memory_space<hbm>>
      tpu.wait_dma2 semaphore(%arg6 : memref<!tpu.dma_semaphore, #tpu.memory_space<semaphore_mem>>) src(%arg4 : memref<128x128xf32, #tpu.memory_space<vmem>>) dst(%dma_wait3A_240 : memref<128x128xf32, #tpu.memory_space<hbm>>)
    } else {
    }
    %add3A_7 = arith.constant 32 : i32
    %add3A_8 = arith.addi %add3A, %add3A_7 : i32
    %mul3A_9 = arith.constant 128 : i32
    %mul3A_10 = arith.muli %add3A_8, %mul3A_9 : i32
    %lt3A_11 = arith.constant 781 : i32
    %lt3A_12 = arith.cmpi slt, %add3A_8, %lt3A_11 : i32
    %convert_element_type3A_13 = arith.extui %lt3A_12 : i1 to i32
    %cond3A_14 = arith.constant 0 : i32
    %cond3A_15 = arith.cmpi ne, %convert_element_type3A_13, %cond3A_14 : i32
    scf.if %cond3A_15 {
      %dma_start3A = arith.constant 0 : i32
      %dma_start3A_227 = tpu.memref_slice %arg2[%mul3A_10, %dma_start3A] : memref<100000x128xf32, #tpu.memory_space<hbm>> -> memref<128x128xf32, #tpu.memory_space<hbm>>
      %dma_start3A_228 = arith.constant 0 : i32
      %dma_start3A_229 = tpu.memref_slice %arg2[%mul3A_10, %dma_start3A_228] : memref<100000x128xf32, #tpu.memory_space<hbm>> -> memref<128x128xf32, #tpu.memory_space<hbm>>
      tpu.enqueue_dma source(%dma_start3A_229 : memref<128x128xf32, #tpu.memory_space<hbm>>) target(%arg5 : memref<128x128xf32, #tpu.memory_space<vmem>>) target_semaphore(%arg7 : memref<!tpu.dma_semaphore, #tpu.memory_space<semaphore_mem>>)
      %dma_wait3A = arith.constant 0 : i32
      %dma_wait3A_230 = tpu.memref_slice %arg2[%mul3A_10, %dma_wait3A] : memref<100000x128xf32, #tpu.memory_space<hbm>> -> memref<128x128xf32, #tpu.memory_space<hbm>>
      %dma_wait3A_231 = arith.constant 0 : i32
      %dma_wait3A_232 = tpu.memref_slice %arg2[%mul3A_10, %dma_wait3A_231] : memref<100000x128xf32, #tpu.memory_space<hbm>> -> memref<128x128xf32, #tpu.memory_space<hbm>>
      tpu.wait_dma2 semaphore(%arg7 : memref<!tpu.dma_semaphore, #tpu.memory_space<semaphore_mem>>) src(%dma_wait3A_232 : memref<128x128xf32, #tpu.memory_space<hbm>>) dst(%arg5 : memref<128x128xf32, #tpu.memory_space<vmem>>)
      %dma_start3A_233 = arith.constant 0 : i32
      %dma_start3A_234 = tpu.memref_slice %arg3[%mul3A_10, %dma_start3A_233] : memref<100000x128xf32, #tpu.memory_space<hbm>> -> memref<128x128xf32, #tpu.memory_space<hbm>>
      %dma_start3A_235 = arith.constant 0 : i32
      %dma_start3A_236 = tpu.memref_slice %arg3[%mul3A_10, %dma_start3A_235] : memref<100000x128xf32, #tpu.memory_space<hbm>> -> memref<128x128xf32, #tpu.memory_space<hbm>>
      tpu.enqueue_dma source(%arg5 : memref<128x128xf32, #tpu.memory_space<vmem>>) target(%dma_start3A_236 : memref<128x128xf32, #tpu.memory_space<hbm>>) target_semaphore(%arg7 : memref<!tpu.dma_semaphore, #tpu.memory_space<semaphore_mem>>)
      %dma_wait3A_237 = arith.constant 0 : i32
      %dma_wait3A_238 = tpu.memref_slice %arg3[%mul3A_10, %dma_wait3A_237] : memref<100000x128xf32, #tpu.memory_space<hbm>> -> memref<128x128xf32, #tpu.memory_space<hbm>>
      %dma_wait3A_239 = arith.constant 0 : i32
      %dma_wait3A_240 = tpu.memref_slice %arg3[%mul3A_10, %dma_wait3A_239] : memref<100000x128xf32, #tpu.memory_space<hbm>> -> memref<128x128xf32, #tpu.memory_space<hbm>>
      tpu.wait_dma2 semaphore(%arg7 : memref<!tpu.dma_semaphore, #tpu.memory_space<semaphore_mem>>) src(%arg5 : memref<128x128xf32, #tpu.memory_space<vmem>>) dst(%dma_wait3A_240 : memref<128x128xf32, #tpu.memory_space<hbm>>)
    } else {
    }
    %add3A_16 = arith.constant 64 : i32
    %add3A_17 = arith.addi %add3A, %add3A_16 : i32
    %mul3A_18 = arith.constant 128 : i32
    %mul3A_19 = arith.muli %add3A_17, %mul3A_18 : i32
    %lt3A_20 = arith.constant 781 : i32
    %lt3A_21 = arith.cmpi slt, %add3A_17, %lt3A_20 : i32
    %convert_element_type3A_22 = arith.extui %lt3A_21 : i1 to i32
    %cond3A_23 = arith.constant 0 : i32
    %cond3A_24 = arith.cmpi ne, %convert_element_type3A_22, %cond3A_23 : i32
    scf.if %cond3A_24 {
      %dma_start3A = arith.constant 0 : i32
      %dma_start3A_227 = tpu.memref_slice %arg2[%mul3A_19, %dma_start3A] : memref<100000x128xf32, #tpu.memory_space<hbm>> -> memref<128x128xf32, #tpu.memory_space<hbm>>
      %dma_start3A_228 = arith.constant 0 : i32
      %dma_start3A_229 = tpu.memref_slice %arg2[%mul3A_19, %dma_start3A_228] : memref<100000x128xf32, #tpu.memory_space<hbm>> -> memref<128x128xf32, #tpu.memory_space<hbm>>
      tpu.enqueue_dma source(%dma_start3A_229 : memref<128x128xf32, #tpu.memory_space<hbm>>) target(%arg4 : memref<128x128xf32, #tpu.memory_space<vmem>>) target_semaphore(%arg6 : memref<!tpu.dma_semaphore, #tpu.memory_space<semaphore_mem>>)
      %dma_wait3A = arith.constant 0 : i32
      %dma_wait3A_230 = tpu.memref_slice %arg2[%mul3A_19, %dma_wait3A] : memref<100000x128xf32, #tpu.memory_space<hbm>> -> memref<128x128xf32, #tpu.memory_space<hbm>>
      %dma_wait3A_231 = arith.constant 0 : i32
      %dma_wait3A_232 = tpu.memref_slice %arg2[%mul3A_19, %dma_wait3A_231] : memref<100000x128xf32, #tpu.memory_space<hbm>> -> memref<128x128xf32, #tpu.memory_space<hbm>>
      tpu.wait_dma2 semaphore(%arg6 : memref<!tpu.dma_semaphore, #tpu.memory_space<semaphore_mem>>) src(%dma_wait3A_232 : memref<128x128xf32, #tpu.memory_space<hbm>>) dst(%arg4 : memref<128x128xf32, #tpu.memory_space<vmem>>)
      %dma_start3A_233 = arith.constant 0 : i32
      %dma_start3A_234 = tpu.memref_slice %arg3[%mul3A_19, %dma_start3A_233] : memref<100000x128xf32, #tpu.memory_space<hbm>> -> memref<128x128xf32, #tpu.memory_space<hbm>>
      %dma_start3A_235 = arith.constant 0 : i32
      %dma_start3A_236 = tpu.memref_slice %arg3[%mul3A_19, %dma_start3A_235] : memref<100000x128xf32, #tpu.memory_space<hbm>> -> memref<128x128xf32, #tpu.memory_space<hbm>>
      tpu.enqueue_dma source(%arg4 : memref<128x128xf32, #tpu.memory_space<vmem>>) target(%dma_start3A_236 : memref<128x128xf32, #tpu.memory_space<hbm>>) target_semaphore(%arg6 : memref<!tpu.dma_semaphore, #tpu.memory_space<semaphore_mem>>)
      %dma_wait3A_237 = arith.constant 0 : i32
      %dma_wait3A_238 = tpu.memref_slice %arg3[%mul3A_19, %dma_wait3A_237] : memref<100000x128xf32, #tpu.memory_space<hbm>> -> memref<128x128xf32, #tpu.memory_space<hbm>>
      %dma_wait3A_239 = arith.constant 0 : i32
      %dma_wait3A_240 = tpu.memref_slice %arg3[%mul3A_19, %dma_wait3A_239] : memref<100000x128xf32, #tpu.memory_space<hbm>> -> memref<128x128xf32, #tpu.memory_space<hbm>>
      tpu.wait_dma2 semaphore(%arg6 : memref<!tpu.dma_semaphore, #tpu.memory_space<semaphore_mem>>) src(%arg4 : memref<128x128xf32, #tpu.memory_space<vmem>>) dst(%dma_wait3A_240 : memref<128x128xf32, #tpu.memory_space<hbm>>)
    } else {
    }
    %add3A_25 = arith.constant 96 : i32
    %add3A_26 = arith.addi %add3A, %add3A_25 : i32
    %mul3A_27 = arith.constant 128 : i32
    %mul3A_28 = arith.muli %add3A_26, %mul3A_27 : i32
    %lt3A_29 = arith.constant 781 : i32
    %lt3A_30 = arith.cmpi slt, %add3A_26, %lt3A_29 : i32
    %convert_element_type3A_31 = arith.extui %lt3A_30 : i1 to i32
    %cond3A_32 = arith.constant 0 : i32
    %cond3A_33 = arith.cmpi ne, %convert_element_type3A_31, %cond3A_32 : i32
    scf.if %cond3A_33 {
      %dma_start3A = arith.constant 0 : i32
      %dma_start3A_227 = tpu.memref_slice %arg2[%mul3A_28, %dma_start3A] : memref<100000x128xf32, #tpu.memory_space<hbm>> -> memref<128x128xf32, #tpu.memory_space<hbm>>
      %dma_start3A_228 = arith.constant 0 : i32
      %dma_start3A_229 = tpu.memref_slice %arg2[%mul3A_28, %dma_start3A_228] : memref<100000x128xf32, #tpu.memory_space<hbm>> -> memref<128x128xf32, #tpu.memory_space<hbm>>
      tpu.enqueue_dma source(%dma_start3A_229 : memref<128x128xf32, #tpu.memory_space<hbm>>) target(%arg5 : memref<128x128xf32, #tpu.memory_space<vmem>>) target_semaphore(%arg7 : memref<!tpu.dma_semaphore, #tpu.memory_space<semaphore_mem>>)
      %dma_wait3A = arith.constant 0 : i32
      %dma_wait3A_230 = tpu.memref_slice %arg2[%mul3A_28, %dma_wait3A] : memref<100000x128xf32, #tpu.memory_space<hbm>> -> memref<128x128xf32, #tpu.memory_space<hbm>>
      %dma_wait3A_231 = arith.constant 0 : i32
      %dma_wait3A_232 = tpu.memref_slice %arg2[%mul3A_28, %dma_wait3A_231] : memref<100000x128xf32, #tpu.memory_space<hbm>> -> memref<128x128xf32, #tpu.memory_space<hbm>>
      tpu.wait_dma2 semaphore(%arg7 : memref<!tpu.dma_semaphore, #tpu.memory_space<semaphore_mem>>) src(%dma_wait3A_232 : memref<128x128xf32, #tpu.memory_space<hbm>>) dst(%arg5 : memref<128x128xf32, #tpu.memory_space<vmem>>)
      %dma_start3A_233 = arith.constant 0 : i32
      %dma_start3A_234 = tpu.memref_slice %arg3[%mul3A_28, %dma_start3A_233] : memref<100000x128xf32, #tpu.memory_space<hbm>> -> memref<128x128xf32, #tpu.memory_space<hbm>>
      %dma_start3A_235 = arith.constant 0 : i32
      %dma_start3A_236 = tpu.memref_slice %arg3[%mul3A_28, %dma_start3A_235] : memref<100000x128xf32, #tpu.memory_space<hbm>> -> memref<128x128xf32, #tpu.memory_space<hbm>>
      tpu.enqueue_dma source(%arg5 : memref<128x128xf32, #tpu.memory_space<vmem>>) target(%dma_start3A_236 : memref<128x128xf32, #tpu.memory_space<hbm>>) target_semaphore(%arg7 : memref<!tpu.dma_semaphore, #tpu.memory_space<semaphore_mem>>)
      %dma_wait3A_237 = arith.constant 0 : i32
      %dma_wait3A_238 = tpu.memref_slice %arg3[%mul3A_28, %dma_wait3A_237] : memref<100000x128xf32, #tpu.memory_space<hbm>> -> memref<128x128xf32, #tpu.memory_space<hbm>>
      %dma_wait3A_239 = arith.constant 0 : i32
      %dma_wait3A_240 = tpu.memref_slice %arg3[%mul3A_28, %dma_wait3A_239] : memref<100000x128xf32, #tpu.memory_space<hbm>> -> memref<128x128xf32, #tpu.memory_space<hbm>>
      tpu.wait_dma2 semaphore(%arg7 : memref<!tpu.dma_semaphore, #tpu.memory_space<semaphore_mem>>) src(%arg5 : memref<128x128xf32, #tpu.memory_space<vmem>>) dst(%dma_wait3A_240 : memref<128x128xf32, #tpu.memory_space<hbm>>)
    } else {
    }
    %add3A_34 = arith.constant 128 : i32
    %add3A_35 = arith.addi %add3A, %add3A_34 : i32
    %mul3A_36 = arith.constant 128 : i32
    %mul3A_37 = arith.muli %add3A_35, %mul3A_36 : i32
    %lt3A_38 = arith.constant 781 : i32
    %lt3A_39 = arith.cmpi slt, %add3A_35, %lt3A_38 : i32
    %convert_element_type3A_40 = arith.extui %lt3A_39 : i1 to i32
    %cond3A_41 = arith.constant 0 : i32
    %cond3A_42 = arith.cmpi ne, %convert_element_type3A_40, %cond3A_41 : i32
    scf.if %cond3A_42 {
      %dma_start3A = arith.constant 0 : i32
      %dma_start3A_227 = tpu.memref_slice %arg2[%mul3A_37, %dma_start3A] : memref<100000x128xf32, #tpu.memory_space<hbm>> -> memref<128x128xf32, #tpu.memory_space<hbm>>
      %dma_start3A_228 = arith.constant 0 : i32
      %dma_start3A_229 = tpu.memref_slice %arg2[%mul3A_37, %dma_start3A_228] : memref<100000x128xf32, #tpu.memory_space<hbm>> -> memref<128x128xf32, #tpu.memory_space<hbm>>
      tpu.enqueue_dma source(%dma_start3A_229 : memref<128x128xf32, #tpu.memory_space<hbm>>) target(%arg4 : memref<128x128xf32, #tpu.memory_space<vmem>>) target_semaphore(%arg6 : memref<!tpu.dma_semaphore, #tpu.memory_space<semaphore_mem>>)
      %dma_wait3A = arith.constant 0 : i32
      %dma_wait3A_230 = tpu.memref_slice %arg2[%mul3A_37, %dma_wait3A] : memref<100000x128xf32, #tpu.memory_space<hbm>> -> memref<128x128xf32, #tpu.memory_space<hbm>>
      %dma_wait3A_231 = arith.constant 0 : i32
      %dma_wait3A_232 = tpu.memref_slice %arg2[%mul3A_37, %dma_wait3A_231] : memref<100000x128xf32, #tpu.memory_space<hbm>> -> memref<128x128xf32, #tpu.memory_space<hbm>>
      tpu.wait_dma2 semaphore(%arg6 : memref<!tpu.dma_semaphore, #tpu.memory_space<semaphore_mem>>) src(%dma_wait3A_232 : memref<128x128xf32, #tpu.memory_space<hbm>>) dst(%arg4 : memref<128x128xf32, #tpu.memory_space<vmem>>)
      %dma_start3A_233 = arith.constant 0 : i32
      %dma_start3A_234 = tpu.memref_slice %arg3[%mul3A_37, %dma_start3A_233] : memref<100000x128xf32, #tpu.memory_space<hbm>> -> memref<128x128xf32, #tpu.memory_space<hbm>>
      %dma_start3A_235 = arith.constant 0 : i32
      %dma_start3A_236 = tpu.memref_slice %arg3[%mul3A_37, %dma_start3A_235] : memref<100000x128xf32, #tpu.memory_space<hbm>> -> memref<128x128xf32, #tpu.memory_space<hbm>>
      tpu.enqueue_dma source(%arg4 : memref<128x128xf32, #tpu.memory_space<vmem>>) target(%dma_start3A_236 : memref<128x128xf32, #tpu.memory_space<hbm>>) target_semaphore(%arg6 : memref<!tpu.dma_semaphore, #tpu.memory_space<semaphore_mem>>)
      %dma_wait3A_237 = arith.constant 0 : i32
      %dma_wait3A_238 = tpu.memref_slice %arg3[%mul3A_37, %dma_wait3A_237] : memref<100000x128xf32, #tpu.memory_space<hbm>> -> memref<128x128xf32, #tpu.memory_space<hbm>>
      %dma_wait3A_239 = arith.constant 0 : i32
      %dma_wait3A_240 = tpu.memref_slice %arg3[%mul3A_37, %dma_wait3A_239] : memref<100000x128xf32, #tpu.memory_space<hbm>> -> memref<128x128xf32, #tpu.memory_space<hbm>>
      tpu.wait_dma2 semaphore(%arg6 : memref<!tpu.dma_semaphore, #tpu.memory_space<semaphore_mem>>) src(%arg4 : memref<128x128xf32, #tpu.memory_space<vmem>>) dst(%dma_wait3A_240 : memref<128x128xf32, #tpu.memory_space<hbm>>)
    } else {
    }
    %add3A_43 = arith.constant 160 : i32
    %add3A_44 = arith.addi %add3A, %add3A_43 : i32
    %mul3A_45 = arith.constant 128 : i32
    %mul3A_46 = arith.muli %add3A_44, %mul3A_45 : i32
    %lt3A_47 = arith.constant 781 : i32
    %lt3A_48 = arith.cmpi slt, %add3A_44, %lt3A_47 : i32
    %convert_element_type3A_49 = arith.extui %lt3A_48 : i1 to i32
    %cond3A_50 = arith.constant 0 : i32
    %cond3A_51 = arith.cmpi ne, %convert_element_type3A_49, %cond3A_50 : i32
    scf.if %cond3A_51 {
      %dma_start3A = arith.constant 0 : i32
      %dma_start3A_227 = tpu.memref_slice %arg2[%mul3A_46, %dma_start3A] : memref<100000x128xf32, #tpu.memory_space<hbm>> -> memref<128x128xf32, #tpu.memory_space<hbm>>
      %dma_start3A_228 = arith.constant 0 : i32
      %dma_start3A_229 = tpu.memref_slice %arg2[%mul3A_46, %dma_start3A_228] : memref<100000x128xf32, #tpu.memory_space<hbm>> -> memref<128x128xf32, #tpu.memory_space<hbm>>
      tpu.enqueue_dma source(%dma_start3A_229 : memref<128x128xf32, #tpu.memory_space<hbm>>) target(%arg5 : memref<128x128xf32, #tpu.memory_space<vmem>>) target_semaphore(%arg7 : memref<!tpu.dma_semaphore, #tpu.memory_space<semaphore_mem>>)
      %dma_wait3A = arith.constant 0 : i32
      %dma_wait3A_230 = tpu.memref_slice %arg2[%mul3A_46, %dma_wait3A] : memref<100000x128xf32, #tpu.memory_space<hbm>> -> memref<128x128xf32, #tpu.memory_space<hbm>>
      %dma_wait3A_231 = arith.constant 0 : i32
      %dma_wait3A_232 = tpu.memref_slice %arg2[%mul3A_46, %dma_wait3A_231] : memref<100000x128xf32, #tpu.memory_space<hbm>> -> memref<128x128xf32, #tpu.memory_space<hbm>>
      tpu.wait_dma2 semaphore(%arg7 : memref<!tpu.dma_semaphore, #tpu.memory_space<semaphore_mem>>) src(%dma_wait3A_232 : memref<128x128xf32, #tpu.memory_space<hbm>>) dst(%arg5 : memref<128x128xf32, #tpu.memory_space<vmem>>)
      %dma_start3A_233 = arith.constant 0 : i32
      %dma_start3A_234 = tpu.memref_slice %arg3[%mul3A_46, %dma_start3A_233] : memref<100000x128xf32, #tpu.memory_space<hbm>> -> memref<128x128xf32, #tpu.memory_space<hbm>>
      %dma_start3A_235 = arith.constant 0 : i32
      %dma_start3A_236 = tpu.memref_slice %arg3[%mul3A_46, %dma_start3A_235] : memref<100000x128xf32, #tpu.memory_space<hbm>> -> memref<128x128xf32, #tpu.memory_space<hbm>>
      tpu.enqueue_dma source(%arg5 : memref<128x128xf32, #tpu.memory_space<vmem>>) target(%dma_start3A_236 : memref<128x128xf32, #tpu.memory_space<hbm>>) target_semaphore(%arg7 : memref<!tpu.dma_semaphore, #tpu.memory_space<semaphore_mem>>)
      %dma_wait3A_237 = arith.constant 0 : i32
      %dma_wait3A_238 = tpu.memref_slice %arg3[%mul3A_46, %dma_wait3A_237] : memref<100000x128xf32, #tpu.memory_space<hbm>> -> memref<128x128xf32, #tpu.memory_space<hbm>>
      %dma_wait3A_239 = arith.constant 0 : i32
      %dma_wait3A_240 = tpu.memref_slice %arg3[%mul3A_46, %dma_wait3A_239] : memref<100000x128xf32, #tpu.memory_space<hbm>> -> memref<128x128xf32, #tpu.memory_space<hbm>>
      tpu.wait_dma2 semaphore(%arg7 : memref<!tpu.dma_semaphore, #tpu.memory_space<semaphore_mem>>) src(%arg5 : memref<128x128xf32, #tpu.memory_space<vmem>>) dst(%dma_wait3A_240 : memref<128x128xf32, #tpu.memory_space<hbm>>)
    } else {
    }
    %add3A_52 = arith.constant 192 : i32
    %add3A_53 = arith.addi %add3A, %add3A_52 : i32
    %mul3A_54 = arith.constant 128 : i32
    %mul3A_55 = arith.muli %add3A_53, %mul3A_54 : i32
    %lt3A_56 = arith.constant 781 : i32
    %lt3A_57 = arith.cmpi slt, %add3A_53, %lt3A_56 : i32
    %convert_element_type3A_58 = arith.extui %lt3A_57 : i1 to i32
    %cond3A_59 = arith.constant 0 : i32
    %cond3A_60 = arith.cmpi ne, %convert_element_type3A_58, %cond3A_59 : i32
    scf.if %cond3A_60 {
      %dma_start3A = arith.constant 0 : i32
      %dma_start3A_227 = tpu.memref_slice %arg2[%mul3A_55, %dma_start3A] : memref<100000x128xf32, #tpu.memory_space<hbm>> -> memref<128x128xf32, #tpu.memory_space<hbm>>
      %dma_start3A_228 = arith.constant 0 : i32
      %dma_start3A_229 = tpu.memref_slice %arg2[%mul3A_55, %dma_start3A_228] : memref<100000x128xf32, #tpu.memory_space<hbm>> -> memref<128x128xf32, #tpu.memory_space<hbm>>
      tpu.enqueue_dma source(%dma_start3A_229 : memref<128x128xf32, #tpu.memory_space<hbm>>) target(%arg4 : memref<128x128xf32, #tpu.memory_space<vmem>>) target_semaphore(%arg6 : memref<!tpu.dma_semaphore, #tpu.memory_space<semaphore_mem>>)
      %dma_wait3A = arith.constant 0 : i32
      %dma_wait3A_230 = tpu.memref_slice %arg2[%mul3A_55, %dma_wait3A] : memref<100000x128xf32, #tpu.memory_space<hbm>> -> memref<128x128xf32, #tpu.memory_space<hbm>>
      %dma_wait3A_231 = arith.constant 0 : i32
      %dma_wait3A_232 = tpu.memref_slice %arg2[%mul3A_55, %dma_wait3A_231] : memref<100000x128xf32, #tpu.memory_space<hbm>> -> memref<128x128xf32, #tpu.memory_space<hbm>>
      tpu.wait_dma2 semaphore(%arg6 : memref<!tpu.dma_semaphore, #tpu.memory_space<semaphore_mem>>) src(%dma_wait3A_232 : memref<128x128xf32, #tpu.memory_space<hbm>>) dst(%arg4 : memref<128x128xf32, #tpu.memory_space<vmem>>)
      %dma_start3A_233 = arith.constant 0 : i32
      %dma_start3A_234 = tpu.memref_slice %arg3[%mul3A_55, %dma_start3A_233] : memref<100000x128xf32, #tpu.memory_space<hbm>> -> memref<128x128xf32, #tpu.memory_space<hbm>>
      %dma_start3A_235 = arith.constant 0 : i32
      %dma_start3A_236 = tpu.memref_slice %arg3[%mul3A_55, %dma_start3A_235] : memref<100000x128xf32, #tpu.memory_space<hbm>> -> memref<128x128xf32, #tpu.memory_space<hbm>>
      tpu.enqueue_dma source(%arg4 : memref<128x128xf32, #tpu.memory_space<vmem>>) target(%dma_start3A_236 : memref<128x128xf32, #tpu.memory_space<hbm>>) target_semaphore(%arg6 : memref<!tpu.dma_semaphore, #tpu.memory_space<semaphore_mem>>)
      %dma_wait3A_237 = arith.constant 0 : i32
      %dma_wait3A_238 = tpu.memref_slice %arg3[%mul3A_55, %dma_wait3A_237] : memref<100000x128xf32, #tpu.memory_space<hbm>> -> memref<128x128xf32, #tpu.memory_space<hbm>>
      %dma_wait3A_239 = arith.constant 0 : i32
      %dma_wait3A_240 = tpu.memref_slice %arg3[%mul3A_55, %dma_wait3A_239] : memref<100000x128xf32, #tpu.memory_space<hbm>> -> memref<128x128xf32, #tpu.memory_space<hbm>>
      tpu.wait_dma2 semaphore(%arg6 : memref<!tpu.dma_semaphore, #tpu.memory_space<semaphore_mem>>) src(%arg4 : memref<128x128xf32, #tpu.memory_space<vmem>>) dst(%dma_wait3A_240 : memref<128x128xf32, #tpu.memory_space<hbm>>)
    } else {
    }
    %add3A_61 = arith.constant 224 : i32
    %add3A_62 = arith.addi %add3A, %add3A_61 : i32
    %mul3A_63 = arith.constant 128 : i32
    %mul3A_64 = arith.muli %add3A_62, %mul3A_63 : i32
    %lt3A_65 = arith.constant 781 : i32
    %lt3A_66 = arith.cmpi slt, %add3A_62, %lt3A_65 : i32
    %convert_element_type3A_67 = arith.extui %lt3A_66 : i1 to i32
    %cond3A_68 = arith.constant 0 : i32
    %cond3A_69 = arith.cmpi ne, %convert_element_type3A_67, %cond3A_68 : i32
    scf.if %cond3A_69 {
      %dma_start3A = arith.constant 0 : i32
      %dma_start3A_227 = tpu.memref_slice %arg2[%mul3A_64, %dma_start3A] : memref<100000x128xf32, #tpu.memory_space<hbm>> -> memref<128x128xf32, #tpu.memory_space<hbm>>
      %dma_start3A_228 = arith.constant 0 : i32
      %dma_start3A_229 = tpu.memref_slice %arg2[%mul3A_64, %dma_start3A_228] : memref<100000x128xf32, #tpu.memory_space<hbm>> -> memref<128x128xf32, #tpu.memory_space<hbm>>
      tpu.enqueue_dma source(%dma_start3A_229 : memref<128x128xf32, #tpu.memory_space<hbm>>) target(%arg5 : memref<128x128xf32, #tpu.memory_space<vmem>>) target_semaphore(%arg7 : memref<!tpu.dma_semaphore, #tpu.memory_space<semaphore_mem>>)
      %dma_wait3A = arith.constant 0 : i32
      %dma_wait3A_230 = tpu.memref_slice %arg2[%mul3A_64, %dma_wait3A] : memref<100000x128xf32, #tpu.memory_space<hbm>> -> memref<128x128xf32, #tpu.memory_space<hbm>>
      %dma_wait3A_231 = arith.constant 0 : i32
      %dma_wait3A_232 = tpu.memref_slice %arg2[%mul3A_64, %dma_wait3A_231] : memref<100000x128xf32, #tpu.memory_space<hbm>> -> memref<128x128xf32, #tpu.memory_space<hbm>>
      tpu.wait_dma2 semaphore(%arg7 : memref<!tpu.dma_semaphore, #tpu.memory_space<semaphore_mem>>) src(%dma_wait3A_232 : memref<128x128xf32, #tpu.memory_space<hbm>>) dst(%arg5 : memref<128x128xf32, #tpu.memory_space<vmem>>)
      %dma_start3A_233 = arith.constant 0 : i32
      %dma_start3A_234 = tpu.memref_slice %arg3[%mul3A_64, %dma_start3A_233] : memref<100000x128xf32, #tpu.memory_space<hbm>> -> memref<128x128xf32, #tpu.memory_space<hbm>>
      %dma_start3A_235 = arith.constant 0 : i32
      %dma_start3A_236 = tpu.memref_slice %arg3[%mul3A_64, %dma_start3A_235] : memref<100000x128xf32, #tpu.memory_space<hbm>> -> memref<128x128xf32, #tpu.memory_space<hbm>>
      tpu.enqueue_dma source(%arg5 : memref<128x128xf32, #tpu.memory_space<vmem>>) target(%dma_start3A_236 : memref<128x128xf32, #tpu.memory_space<hbm>>) target_semaphore(%arg7 : memref<!tpu.dma_semaphore, #tpu.memory_space<semaphore_mem>>)
      %dma_wait3A_237 = arith.constant 0 : i32
      %dma_wait3A_238 = tpu.memref_slice %arg3[%mul3A_64, %dma_wait3A_237] : memref<100000x128xf32, #tpu.memory_space<hbm>> -> memref<128x128xf32, #tpu.memory_space<hbm>>
      %dma_wait3A_239 = arith.constant 0 : i32
      %dma_wait3A_240 = tpu.memref_slice %arg3[%mul3A_64, %dma_wait3A_239] : memref<100000x128xf32, #tpu.memory_space<hbm>> -> memref<128x128xf32, #tpu.memory_space<hbm>>
      tpu.wait_dma2 semaphore(%arg7 : memref<!tpu.dma_semaphore, #tpu.memory_space<semaphore_mem>>) src(%arg5 : memref<128x128xf32, #tpu.memory_space<vmem>>) dst(%dma_wait3A_240 : memref<128x128xf32, #tpu.memory_space<hbm>>)
    } else {
    }
    %add3A_70 = arith.constant 256 : i32
    %add3A_71 = arith.addi %add3A, %add3A_70 : i32
    %mul3A_72 = arith.constant 128 : i32
    %mul3A_73 = arith.muli %add3A_71, %mul3A_72 : i32
    %lt3A_74 = arith.constant 781 : i32
    %lt3A_75 = arith.cmpi slt, %add3A_71, %lt3A_74 : i32
    %convert_element_type3A_76 = arith.extui %lt3A_75 : i1 to i32
    %cond3A_77 = arith.constant 0 : i32
    %cond3A_78 = arith.cmpi ne, %convert_element_type3A_76, %cond3A_77 : i32
    scf.if %cond3A_78 {
      %dma_start3A = arith.constant 0 : i32
      %dma_start3A_227 = tpu.memref_slice %arg2[%mul3A_73, %dma_start3A] : memref<100000x128xf32, #tpu.memory_space<hbm>> -> memref<128x128xf32, #tpu.memory_space<hbm>>
      %dma_start3A_228 = arith.constant 0 : i32
      %dma_start3A_229 = tpu.memref_slice %arg2[%mul3A_73, %dma_start3A_228] : memref<100000x128xf32, #tpu.memory_space<hbm>> -> memref<128x128xf32, #tpu.memory_space<hbm>>
      tpu.enqueue_dma source(%dma_start3A_229 : memref<128x128xf32, #tpu.memory_space<hbm>>) target(%arg4 : memref<128x128xf32, #tpu.memory_space<vmem>>) target_semaphore(%arg6 : memref<!tpu.dma_semaphore, #tpu.memory_space<semaphore_mem>>)
      %dma_wait3A = arith.constant 0 : i32
      %dma_wait3A_230 = tpu.memref_slice %arg2[%mul3A_73, %dma_wait3A] : memref<100000x128xf32, #tpu.memory_space<hbm>> -> memref<128x128xf32, #tpu.memory_space<hbm>>
      %dma_wait3A_231 = arith.constant 0 : i32
      %dma_wait3A_232 = tpu.memref_slice %arg2[%mul3A_73, %dma_wait3A_231] : memref<100000x128xf32, #tpu.memory_space<hbm>> -> memref<128x128xf32, #tpu.memory_space<hbm>>
      tpu.wait_dma2 semaphore(%arg6 : memref<!tpu.dma_semaphore, #tpu.memory_space<semaphore_mem>>) src(%dma_wait3A_232 : memref<128x128xf32, #tpu.memory_space<hbm>>) dst(%arg4 : memref<128x128xf32, #tpu.memory_space<vmem>>)
      %dma_start3A_233 = arith.constant 0 : i32
      %dma_start3A_234 = tpu.memref_slice %arg3[%mul3A_73, %dma_start3A_233] : memref<100000x128xf32, #tpu.memory_space<hbm>> -> memref<128x128xf32, #tpu.memory_space<hbm>>
      %dma_start3A_235 = arith.constant 0 : i32
      %dma_start3A_236 = tpu.memref_slice %arg3[%mul3A_73, %dma_start3A_235] : memref<100000x128xf32, #tpu.memory_space<hbm>> -> memref<128x128xf32, #tpu.memory_space<hbm>>
      tpu.enqueue_dma source(%arg4 : memref<128x128xf32, #tpu.memory_space<vmem>>) target(%dma_start3A_236 : memref<128x128xf32, #tpu.memory_space<hbm>>) target_semaphore(%arg6 : memref<!tpu.dma_semaphore, #tpu.memory_space<semaphore_mem>>)
      %dma_wait3A_237 = arith.constant 0 : i32
      %dma_wait3A_238 = tpu.memref_slice %arg3[%mul3A_73, %dma_wait3A_237] : memref<100000x128xf32, #tpu.memory_space<hbm>> -> memref<128x128xf32, #tpu.memory_space<hbm>>
      %dma_wait3A_239 = arith.constant 0 : i32
      %dma_wait3A_240 = tpu.memref_slice %arg3[%mul3A_73, %dma_wait3A_239] : memref<100000x128xf32, #tpu.memory_space<hbm>> -> memref<128x128xf32, #tpu.memory_space<hbm>>
      tpu.wait_dma2 semaphore(%arg6 : memref<!tpu.dma_semaphore, #tpu.memory_space<semaphore_mem>>) src(%arg4 : memref<128x128xf32, #tpu.memory_space<vmem>>) dst(%dma_wait3A_240 : memref<128x128xf32, #tpu.memory_space<hbm>>)
    } else {
    }
    %add3A_79 = arith.constant 288 : i32
    %add3A_80 = arith.addi %add3A, %add3A_79 : i32
    %mul3A_81 = arith.constant 128 : i32
    %mul3A_82 = arith.muli %add3A_80, %mul3A_81 : i32
    %lt3A_83 = arith.constant 781 : i32
    %lt3A_84 = arith.cmpi slt, %add3A_80, %lt3A_83 : i32
    %convert_element_type3A_85 = arith.extui %lt3A_84 : i1 to i32
    %cond3A_86 = arith.constant 0 : i32
    %cond3A_87 = arith.cmpi ne, %convert_element_type3A_85, %cond3A_86 : i32
    scf.if %cond3A_87 {
      %dma_start3A = arith.constant 0 : i32
      %dma_start3A_227 = tpu.memref_slice %arg2[%mul3A_82, %dma_start3A] : memref<100000x128xf32, #tpu.memory_space<hbm>> -> memref<128x128xf32, #tpu.memory_space<hbm>>
      %dma_start3A_228 = arith.constant 0 : i32
      %dma_start3A_229 = tpu.memref_slice %arg2[%mul3A_82, %dma_start3A_228] : memref<100000x128xf32, #tpu.memory_space<hbm>> -> memref<128x128xf32, #tpu.memory_space<hbm>>
      tpu.enqueue_dma source(%dma_start3A_229 : memref<128x128xf32, #tpu.memory_space<hbm>>) target(%arg5 : memref<128x128xf32, #tpu.memory_space<vmem>>) target_semaphore(%arg7 : memref<!tpu.dma_semaphore, #tpu.memory_space<semaphore_mem>>)
      %dma_wait3A = arith.constant 0 : i32
      %dma_wait3A_230 = tpu.memref_slice %arg2[%mul3A_82, %dma_wait3A] : memref<100000x128xf32, #tpu.memory_space<hbm>> -> memref<128x128xf32, #tpu.memory_space<hbm>>
      %dma_wait3A_231 = arith.constant 0 : i32
      %dma_wait3A_232 = tpu.memref_slice %arg2[%mul3A_82, %dma_wait3A_231] : memref<100000x128xf32, #tpu.memory_space<hbm>> -> memref<128x128xf32, #tpu.memory_space<hbm>>
      tpu.wait_dma2 semaphore(%arg7 : memref<!tpu.dma_semaphore, #tpu.memory_space<semaphore_mem>>) src(%dma_wait3A_232 : memref<128x128xf32, #tpu.memory_space<hbm>>) dst(%arg5 : memref<128x128xf32, #tpu.memory_space<vmem>>)
      %dma_start3A_233 = arith.constant 0 : i32
      %dma_start3A_234 = tpu.memref_slice %arg3[%mul3A_82, %dma_start3A_233] : memref<100000x128xf32, #tpu.memory_space<hbm>> -> memref<128x128xf32, #tpu.memory_space<hbm>>
      %dma_start3A_235 = arith.constant 0 : i32
      %dma_start3A_236 = tpu.memref_slice %arg3[%mul3A_82, %dma_start3A_235] : memref<100000x128xf32, #tpu.memory_space<hbm>> -> memref<128x128xf32, #tpu.memory_space<hbm>>
      tpu.enqueue_dma source(%arg5 : memref<128x128xf32, #tpu.memory_space<vmem>>) target(%dma_start3A_236 : memref<128x128xf32, #tpu.memory_space<hbm>>) target_semaphore(%arg7 : memref<!tpu.dma_semaphore, #tpu.memory_space<semaphore_mem>>)
      %dma_wait3A_237 = arith.constant 0 : i32
      %dma_wait3A_238 = tpu.memref_slice %arg3[%mul3A_82, %dma_wait3A_237] : memref<100000x128xf32, #tpu.memory_space<hbm>> -> memref<128x128xf32, #tpu.memory_space<hbm>>
      %dma_wait3A_239 = arith.constant 0 : i32
      %dma_wait3A_240 = tpu.memref_slice %arg3[%mul3A_82, %dma_wait3A_239] : memref<100000x128xf32, #tpu.memory_space<hbm>> -> memref<128x128xf32, #tpu.memory_space<hbm>>
      tpu.wait_dma2 semaphore(%arg7 : memref<!tpu.dma_semaphore, #tpu.memory_space<semaphore_mem>>) src(%arg5 : memref<128x128xf32, #tpu.memory_space<vmem>>) dst(%dma_wait3A_240 : memref<128x128xf32, #tpu.memory_space<hbm>>)
    } else {
    }
    %add3A_88 = arith.constant 320 : i32
    %add3A_89 = arith.addi %add3A, %add3A_88 : i32
    %mul3A_90 = arith.constant 128 : i32
    %mul3A_91 = arith.muli %add3A_89, %mul3A_90 : i32
    %lt3A_92 = arith.constant 781 : i32
    %lt3A_93 = arith.cmpi slt, %add3A_89, %lt3A_92 : i32
    %convert_element_type3A_94 = arith.extui %lt3A_93 : i1 to i32
    %cond3A_95 = arith.constant 0 : i32
    %cond3A_96 = arith.cmpi ne, %convert_element_type3A_94, %cond3A_95 : i32
    scf.if %cond3A_96 {
      %dma_start3A = arith.constant 0 : i32
      %dma_start3A_227 = tpu.memref_slice %arg2[%mul3A_91, %dma_start3A] : memref<100000x128xf32, #tpu.memory_space<hbm>> -> memref<128x128xf32, #tpu.memory_space<hbm>>
      %dma_start3A_228 = arith.constant 0 : i32
      %dma_start3A_229 = tpu.memref_slice %arg2[%mul3A_91, %dma_start3A_228] : memref<100000x128xf32, #tpu.memory_space<hbm>> -> memref<128x128xf32, #tpu.memory_space<hbm>>
      tpu.enqueue_dma source(%dma_start3A_229 : memref<128x128xf32, #tpu.memory_space<hbm>>) target(%arg4 : memref<128x128xf32, #tpu.memory_space<vmem>>) target_semaphore(%arg6 : memref<!tpu.dma_semaphore, #tpu.memory_space<semaphore_mem>>)
      %dma_wait3A = arith.constant 0 : i32
      %dma_wait3A_230 = tpu.memref_slice %arg2[%mul3A_91, %dma_wait3A] : memref<100000x128xf32, #tpu.memory_space<hbm>> -> memref<128x128xf32, #tpu.memory_space<hbm>>
      %dma_wait3A_231 = arith.constant 0 : i32
      %dma_wait3A_232 = tpu.memref_slice %arg2[%mul3A_91, %dma_wait3A_231] : memref<100000x128xf32, #tpu.memory_space<hbm>> -> memref<128x128xf32, #tpu.memory_space<hbm>>
      tpu.wait_dma2 semaphore(%arg6 : memref<!tpu.dma_semaphore, #tpu.memory_space<semaphore_mem>>) src(%dma_wait3A_232 : memref<128x128xf32, #tpu.memory_space<hbm>>) dst(%arg4 : memref<128x128xf32, #tpu.memory_space<vmem>>)
      %dma_start3A_233 = arith.constant 0 : i32
      %dma_start3A_234 = tpu.memref_slice %arg3[%mul3A_91, %dma_start3A_233] : memref<100000x128xf32, #tpu.memory_space<hbm>> -> memref<128x128xf32, #tpu.memory_space<hbm>>
      %dma_start3A_235 = arith.constant 0 : i32
      %dma_start3A_236 = tpu.memref_slice %arg3[%mul3A_91, %dma_start3A_235] : memref<100000x128xf32, #tpu.memory_space<hbm>> -> memref<128x128xf32, #tpu.memory_space<hbm>>
      tpu.enqueue_dma source(%arg4 : memref<128x128xf32, #tpu.memory_space<vmem>>) target(%dma_start3A_236 : memref<128x128xf32, #tpu.memory_space<hbm>>) target_semaphore(%arg6 : memref<!tpu.dma_semaphore, #tpu.memory_space<semaphore_mem>>)
      %dma_wait3A_237 = arith.constant 0 : i32
      %dma_wait3A_238 = tpu.memref_slice %arg3[%mul3A_91, %dma_wait3A_237] : memref<100000x128xf32, #tpu.memory_space<hbm>> -> memref<128x128xf32, #tpu.memory_space<hbm>>
      %dma_wait3A_239 = arith.constant 0 : i32
      %dma_wait3A_240 = tpu.memref_slice %arg3[%mul3A_91, %dma_wait3A_239] : memref<100000x128xf32, #tpu.memory_space<hbm>> -> memref<128x128xf32, #tpu.memory_space<hbm>>
      tpu.wait_dma2 semaphore(%arg6 : memref<!tpu.dma_semaphore, #tpu.memory_space<semaphore_mem>>) src(%arg4 : memref<128x128xf32, #tpu.memory_space<vmem>>) dst(%dma_wait3A_240 : memref<128x128xf32, #tpu.memory_space<hbm>>)
    } else {
    }
    %add3A_97 = arith.constant 352 : i32
    %add3A_98 = arith.addi %add3A, %add3A_97 : i32
    %mul3A_99 = arith.constant 128 : i32
    %mul3A_100 = arith.muli %add3A_98, %mul3A_99 : i32
    %lt3A_101 = arith.constant 781 : i32
    %lt3A_102 = arith.cmpi slt, %add3A_98, %lt3A_101 : i32
    %convert_element_type3A_103 = arith.extui %lt3A_102 : i1 to i32
    %cond3A_104 = arith.constant 0 : i32
    %cond3A_105 = arith.cmpi ne, %convert_element_type3A_103, %cond3A_104 : i32
    scf.if %cond3A_105 {
      %dma_start3A = arith.constant 0 : i32
      %dma_start3A_227 = tpu.memref_slice %arg2[%mul3A_100, %dma_start3A] : memref<100000x128xf32, #tpu.memory_space<hbm>> -> memref<128x128xf32, #tpu.memory_space<hbm>>
      %dma_start3A_228 = arith.constant 0 : i32
      %dma_start3A_229 = tpu.memref_slice %arg2[%mul3A_100, %dma_start3A_228] : memref<100000x128xf32, #tpu.memory_space<hbm>> -> memref<128x128xf32, #tpu.memory_space<hbm>>
      tpu.enqueue_dma source(%dma_start3A_229 : memref<128x128xf32, #tpu.memory_space<hbm>>) target(%arg5 : memref<128x128xf32, #tpu.memory_space<vmem>>) target_semaphore(%arg7 : memref<!tpu.dma_semaphore, #tpu.memory_space<semaphore_mem>>)
      %dma_wait3A = arith.constant 0 : i32
      %dma_wait3A_230 = tpu.memref_slice %arg2[%mul3A_100, %dma_wait3A] : memref<100000x128xf32, #tpu.memory_space<hbm>> -> memref<128x128xf32, #tpu.memory_space<hbm>>
      %dma_wait3A_231 = arith.constant 0 : i32
      %dma_wait3A_232 = tpu.memref_slice %arg2[%mul3A_100, %dma_wait3A_231] : memref<100000x128xf32, #tpu.memory_space<hbm>> -> memref<128x128xf32, #tpu.memory_space<hbm>>
      tpu.wait_dma2 semaphore(%arg7 : memref<!tpu.dma_semaphore, #tpu.memory_space<semaphore_mem>>) src(%dma_wait3A_232 : memref<128x128xf32, #tpu.memory_space<hbm>>) dst(%arg5 : memref<128x128xf32, #tpu.memory_space<vmem>>)
      %dma_start3A_233 = arith.constant 0 : i32
      %dma_start3A_234 = tpu.memref_slice %arg3[%mul3A_100, %dma_start3A_233] : memref<100000x128xf32, #tpu.memory_space<hbm>> -> memref<128x128xf32, #tpu.memory_space<hbm>>
      %dma_start3A_235 = arith.constant 0 : i32
      %dma_start3A_236 = tpu.memref_slice %arg3[%mul3A_100, %dma_start3A_235] : memref<100000x128xf32, #tpu.memory_space<hbm>> -> memref<128x128xf32, #tpu.memory_space<hbm>>
      tpu.enqueue_dma source(%arg5 : memref<128x128xf32, #tpu.memory_space<vmem>>) target(%dma_start3A_236 : memref<128x128xf32, #tpu.memory_space<hbm>>) target_semaphore(%arg7 : memref<!tpu.dma_semaphore, #tpu.memory_space<semaphore_mem>>)
      %dma_wait3A_237 = arith.constant 0 : i32
      %dma_wait3A_238 = tpu.memref_slice %arg3[%mul3A_100, %dma_wait3A_237] : memref<100000x128xf32, #tpu.memory_space<hbm>> -> memref<128x128xf32, #tpu.memory_space<hbm>>
      %dma_wait3A_239 = arith.constant 0 : i32
      %dma_wait3A_240 = tpu.memref_slice %arg3[%mul3A_100, %dma_wait3A_239] : memref<100000x128xf32, #tpu.memory_space<hbm>> -> memref<128x128xf32, #tpu.memory_space<hbm>>
      tpu.wait_dma2 semaphore(%arg7 : memref<!tpu.dma_semaphore, #tpu.memory_space<semaphore_mem>>) src(%arg5 : memref<128x128xf32, #tpu.memory_space<vmem>>) dst(%dma_wait3A_240 : memref<128x128xf32, #tpu.memory_space<hbm>>)
    } else {
    }
    %add3A_106 = arith.constant 384 : i32
    %add3A_107 = arith.addi %add3A, %add3A_106 : i32
    %mul3A_108 = arith.constant 128 : i32
    %mul3A_109 = arith.muli %add3A_107, %mul3A_108 : i32
    %lt3A_110 = arith.constant 781 : i32
    %lt3A_111 = arith.cmpi slt, %add3A_107, %lt3A_110 : i32
    %convert_element_type3A_112 = arith.extui %lt3A_111 : i1 to i32
    %cond3A_113 = arith.constant 0 : i32
    %cond3A_114 = arith.cmpi ne, %convert_element_type3A_112, %cond3A_113 : i32
    scf.if %cond3A_114 {
      %dma_start3A = arith.constant 0 : i32
      %dma_start3A_227 = tpu.memref_slice %arg2[%mul3A_109, %dma_start3A] : memref<100000x128xf32, #tpu.memory_space<hbm>> -> memref<128x128xf32, #tpu.memory_space<hbm>>
      %dma_start3A_228 = arith.constant 0 : i32
      %dma_start3A_229 = tpu.memref_slice %arg2[%mul3A_109, %dma_start3A_228] : memref<100000x128xf32, #tpu.memory_space<hbm>> -> memref<128x128xf32, #tpu.memory_space<hbm>>
      tpu.enqueue_dma source(%dma_start3A_229 : memref<128x128xf32, #tpu.memory_space<hbm>>) target(%arg4 : memref<128x128xf32, #tpu.memory_space<vmem>>) target_semaphore(%arg6 : memref<!tpu.dma_semaphore, #tpu.memory_space<semaphore_mem>>)
      %dma_wait3A = arith.constant 0 : i32
      %dma_wait3A_230 = tpu.memref_slice %arg2[%mul3A_109, %dma_wait3A] : memref<100000x128xf32, #tpu.memory_space<hbm>> -> memref<128x128xf32, #tpu.memory_space<hbm>>
      %dma_wait3A_231 = arith.constant 0 : i32
      %dma_wait3A_232 = tpu.memref_slice %arg2[%mul3A_109, %dma_wait3A_231] : memref<100000x128xf32, #tpu.memory_space<hbm>> -> memref<128x128xf32, #tpu.memory_space<hbm>>
      tpu.wait_dma2 semaphore(%arg6 : memref<!tpu.dma_semaphore, #tpu.memory_space<semaphore_mem>>) src(%dma_wait3A_232 : memref<128x128xf32, #tpu.memory_space<hbm>>) dst(%arg4 : memref<128x128xf32, #tpu.memory_space<vmem>>)
      %dma_start3A_233 = arith.constant 0 : i32
      %dma_start3A_234 = tpu.memref_slice %arg3[%mul3A_109, %dma_start3A_233] : memref<100000x128xf32, #tpu.memory_space<hbm>> -> memref<128x128xf32, #tpu.memory_space<hbm>>
      %dma_start3A_235 = arith.constant 0 : i32
      %dma_start3A_236 = tpu.memref_slice %arg3[%mul3A_109, %dma_start3A_235] : memref<100000x128xf32, #tpu.memory_space<hbm>> -> memref<128x128xf32, #tpu.memory_space<hbm>>
      tpu.enqueue_dma source(%arg4 : memref<128x128xf32, #tpu.memory_space<vmem>>) target(%dma_start3A_236 : memref<128x128xf32, #tpu.memory_space<hbm>>) target_semaphore(%arg6 : memref<!tpu.dma_semaphore, #tpu.memory_space<semaphore_mem>>)
      %dma_wait3A_237 = arith.constant 0 : i32
      %dma_wait3A_238 = tpu.memref_slice %arg3[%mul3A_109, %dma_wait3A_237] : memref<100000x128xf32, #tpu.memory_space<hbm>> -> memref<128x128xf32, #tpu.memory_space<hbm>>
      %dma_wait3A_239 = arith.constant 0 : i32
      %dma_wait3A_240 = tpu.memref_slice %arg3[%mul3A_109, %dma_wait3A_239] : memref<100000x128xf32, #tpu.memory_space<hbm>> -> memref<128x128xf32, #tpu.memory_space<hbm>>
      tpu.wait_dma2 semaphore(%arg6 : memref<!tpu.dma_semaphore, #tpu.memory_space<semaphore_mem>>) src(%arg4 : memref<128x128xf32, #tpu.memory_space<vmem>>) dst(%dma_wait3A_240 : memref<128x128xf32, #tpu.memory_space<hbm>>)
    } else {
    }
    %add3A_115 = arith.constant 416 : i32
    %add3A_116 = arith.addi %add3A, %add3A_115 : i32
    %mul3A_117 = arith.constant 128 : i32
    %mul3A_118 = arith.muli %add3A_116, %mul3A_117 : i32
    %lt3A_119 = arith.constant 781 : i32
    %lt3A_120 = arith.cmpi slt, %add3A_116, %lt3A_119 : i32
    %convert_element_type3A_121 = arith.extui %lt3A_120 : i1 to i32
    %cond3A_122 = arith.constant 0 : i32
    %cond3A_123 = arith.cmpi ne, %convert_element_type3A_121, %cond3A_122 : i32
    scf.if %cond3A_123 {
      %dma_start3A = arith.constant 0 : i32
      %dma_start3A_227 = tpu.memref_slice %arg2[%mul3A_118, %dma_start3A] : memref<100000x128xf32, #tpu.memory_space<hbm>> -> memref<128x128xf32, #tpu.memory_space<hbm>>
      %dma_start3A_228 = arith.constant 0 : i32
      %dma_start3A_229 = tpu.memref_slice %arg2[%mul3A_118, %dma_start3A_228] : memref<100000x128xf32, #tpu.memory_space<hbm>> -> memref<128x128xf32, #tpu.memory_space<hbm>>
      tpu.enqueue_dma source(%dma_start3A_229 : memref<128x128xf32, #tpu.memory_space<hbm>>) target(%arg5 : memref<128x128xf32, #tpu.memory_space<vmem>>) target_semaphore(%arg7 : memref<!tpu.dma_semaphore, #tpu.memory_space<semaphore_mem>>)
      %dma_wait3A = arith.constant 0 : i32
      %dma_wait3A_230 = tpu.memref_slice %arg2[%mul3A_118, %dma_wait3A] : memref<100000x128xf32, #tpu.memory_space<hbm>> -> memref<128x128xf32, #tpu.memory_space<hbm>>
      %dma_wait3A_231 = arith.constant 0 : i32
      %dma_wait3A_232 = tpu.memref_slice %arg2[%mul3A_118, %dma_wait3A_231] : memref<100000x128xf32, #tpu.memory_space<hbm>> -> memref<128x128xf32, #tpu.memory_space<hbm>>
      tpu.wait_dma2 semaphore(%arg7 : memref<!tpu.dma_semaphore, #tpu.memory_space<semaphore_mem>>) src(%dma_wait3A_232 : memref<128x128xf32, #tpu.memory_space<hbm>>) dst(%arg5 : memref<128x128xf32, #tpu.memory_space<vmem>>)
      %dma_start3A_233 = arith.constant 0 : i32
      %dma_start3A_234 = tpu.memref_slice %arg3[%mul3A_118, %dma_start3A_233] : memref<100000x128xf32, #tpu.memory_space<hbm>> -> memref<128x128xf32, #tpu.memory_space<hbm>>
      %dma_start3A_235 = arith.constant 0 : i32
      %dma_start3A_236 = tpu.memref_slice %arg3[%mul3A_118, %dma_start3A_235] : memref<100000x128xf32, #tpu.memory_space<hbm>> -> memref<128x128xf32, #tpu.memory_space<hbm>>
      tpu.enqueue_dma source(%arg5 : memref<128x128xf32, #tpu.memory_space<vmem>>) target(%dma_start3A_236 : memref<128x128xf32, #tpu.memory_space<hbm>>) target_semaphore(%arg7 : memref<!tpu.dma_semaphore, #tpu.memory_space<semaphore_mem>>)
      %dma_wait3A_237 = arith.constant 0 : i32
      %dma_wait3A_238 = tpu.memref_slice %arg3[%mul3A_118, %dma_wait3A_237] : memref<100000x128xf32, #tpu.memory_space<hbm>> -> memref<128x128xf32, #tpu.memory_space<hbm>>
      %dma_wait3A_239 = arith.constant 0 : i32
      %dma_wait3A_240 = tpu.memref_slice %arg3[%mul3A_118, %dma_wait3A_239] : memref<100000x128xf32, #tpu.memory_space<hbm>> -> memref<128x128xf32, #tpu.memory_space<hbm>>
      tpu.wait_dma2 semaphore(%arg7 : memref<!tpu.dma_semaphore, #tpu.memory_space<semaphore_mem>>) src(%arg5 : memref<128x128xf32, #tpu.memory_space<vmem>>) dst(%dma_wait3A_240 : memref<128x128xf32, #tpu.memory_space<hbm>>)
    } else {
    }
    %add3A_124 = arith.constant 448 : i32
    %add3A_125 = arith.addi %add3A, %add3A_124 : i32
    %mul3A_126 = arith.constant 128 : i32
    %mul3A_127 = arith.muli %add3A_125, %mul3A_126 : i32
    %lt3A_128 = arith.constant 781 : i32
    %lt3A_129 = arith.cmpi slt, %add3A_125, %lt3A_128 : i32
    %convert_element_type3A_130 = arith.extui %lt3A_129 : i1 to i32
    %cond3A_131 = arith.constant 0 : i32
    %cond3A_132 = arith.cmpi ne, %convert_element_type3A_130, %cond3A_131 : i32
    scf.if %cond3A_132 {
      %dma_start3A = arith.constant 0 : i32
      %dma_start3A_227 = tpu.memref_slice %arg2[%mul3A_127, %dma_start3A] : memref<100000x128xf32, #tpu.memory_space<hbm>> -> memref<128x128xf32, #tpu.memory_space<hbm>>
      %dma_start3A_228 = arith.constant 0 : i32
      %dma_start3A_229 = tpu.memref_slice %arg2[%mul3A_127, %dma_start3A_228] : memref<100000x128xf32, #tpu.memory_space<hbm>> -> memref<128x128xf32, #tpu.memory_space<hbm>>
      tpu.enqueue_dma source(%dma_start3A_229 : memref<128x128xf32, #tpu.memory_space<hbm>>) target(%arg4 : memref<128x128xf32, #tpu.memory_space<vmem>>) target_semaphore(%arg6 : memref<!tpu.dma_semaphore, #tpu.memory_space<semaphore_mem>>)
      %dma_wait3A = arith.constant 0 : i32
      %dma_wait3A_230 = tpu.memref_slice %arg2[%mul3A_127, %dma_wait3A] : memref<100000x128xf32, #tpu.memory_space<hbm>> -> memref<128x128xf32, #tpu.memory_space<hbm>>
      %dma_wait3A_231 = arith.constant 0 : i32
      %dma_wait3A_232 = tpu.memref_slice %arg2[%mul3A_127, %dma_wait3A_231] : memref<100000x128xf32, #tpu.memory_space<hbm>> -> memref<128x128xf32, #tpu.memory_space<hbm>>
      tpu.wait_dma2 semaphore(%arg6 : memref<!tpu.dma_semaphore, #tpu.memory_space<semaphore_mem>>) src(%dma_wait3A_232 : memref<128x128xf32, #tpu.memory_space<hbm>>) dst(%arg4 : memref<128x128xf32, #tpu.memory_space<vmem>>)
      %dma_start3A_233 = arith.constant 0 : i32
      %dma_start3A_234 = tpu.memref_slice %arg3[%mul3A_127, %dma_start3A_233] : memref<100000x128xf32, #tpu.memory_space<hbm>> -> memref<128x128xf32, #tpu.memory_space<hbm>>
      %dma_start3A_235 = arith.constant 0 : i32
      %dma_start3A_236 = tpu.memref_slice %arg3[%mul3A_127, %dma_start3A_235] : memref<100000x128xf32, #tpu.memory_space<hbm>> -> memref<128x128xf32, #tpu.memory_space<hbm>>
      tpu.enqueue_dma source(%arg4 : memref<128x128xf32, #tpu.memory_space<vmem>>) target(%dma_start3A_236 : memref<128x128xf32, #tpu.memory_space<hbm>>) target_semaphore(%arg6 : memref<!tpu.dma_semaphore, #tpu.memory_space<semaphore_mem>>)
      %dma_wait3A_237 = arith.constant 0 : i32
      %dma_wait3A_238 = tpu.memref_slice %arg3[%mul3A_127, %dma_wait3A_237] : memref<100000x128xf32, #tpu.memory_space<hbm>> -> memref<128x128xf32, #tpu.memory_space<hbm>>
      %dma_wait3A_239 = arith.constant 0 : i32
      %dma_wait3A_240 = tpu.memref_slice %arg3[%mul3A_127, %dma_wait3A_239] : memref<100000x128xf32, #tpu.memory_space<hbm>> -> memref<128x128xf32, #tpu.memory_space<hbm>>
      tpu.wait_dma2 semaphore(%arg6 : memref<!tpu.dma_semaphore, #tpu.memory_space<semaphore_mem>>) src(%arg4 : memref<128x128xf32, #tpu.memory_space<vmem>>) dst(%dma_wait3A_240 : memref<128x128xf32, #tpu.memory_space<hbm>>)
    } else {
    }
    %add3A_133 = arith.constant 480 : i32
    %add3A_134 = arith.addi %add3A, %add3A_133 : i32
    %mul3A_135 = arith.constant 128 : i32
    %mul3A_136 = arith.muli %add3A_134, %mul3A_135 : i32
    %lt3A_137 = arith.constant 781 : i32
    %lt3A_138 = arith.cmpi slt, %add3A_134, %lt3A_137 : i32
    %convert_element_type3A_139 = arith.extui %lt3A_138 : i1 to i32
    %cond3A_140 = arith.constant 0 : i32
    %cond3A_141 = arith.cmpi ne, %convert_element_type3A_139, %cond3A_140 : i32
    scf.if %cond3A_141 {
      %dma_start3A = arith.constant 0 : i32
      %dma_start3A_227 = tpu.memref_slice %arg2[%mul3A_136, %dma_start3A] : memref<100000x128xf32, #tpu.memory_space<hbm>> -> memref<128x128xf32, #tpu.memory_space<hbm>>
      %dma_start3A_228 = arith.constant 0 : i32
      %dma_start3A_229 = tpu.memref_slice %arg2[%mul3A_136, %dma_start3A_228] : memref<100000x128xf32, #tpu.memory_space<hbm>> -> memref<128x128xf32, #tpu.memory_space<hbm>>
      tpu.enqueue_dma source(%dma_start3A_229 : memref<128x128xf32, #tpu.memory_space<hbm>>) target(%arg5 : memref<128x128xf32, #tpu.memory_space<vmem>>) target_semaphore(%arg7 : memref<!tpu.dma_semaphore, #tpu.memory_space<semaphore_mem>>)
      %dma_wait3A = arith.constant 0 : i32
      %dma_wait3A_230 = tpu.memref_slice %arg2[%mul3A_136, %dma_wait3A] : memref<100000x128xf32, #tpu.memory_space<hbm>> -> memref<128x128xf32, #tpu.memory_space<hbm>>
      %dma_wait3A_231 = arith.constant 0 : i32
      %dma_wait3A_232 = tpu.memref_slice %arg2[%mul3A_136, %dma_wait3A_231] : memref<100000x128xf32, #tpu.memory_space<hbm>> -> memref<128x128xf32, #tpu.memory_space<hbm>>
      tpu.wait_dma2 semaphore(%arg7 : memref<!tpu.dma_semaphore, #tpu.memory_space<semaphore_mem>>) src(%dma_wait3A_232 : memref<128x128xf32, #tpu.memory_space<hbm>>) dst(%arg5 : memref<128x128xf32, #tpu.memory_space<vmem>>)
      %dma_start3A_233 = arith.constant 0 : i32
      %dma_start3A_234 = tpu.memref_slice %arg3[%mul3A_136, %dma_start3A_233] : memref<100000x128xf32, #tpu.memory_space<hbm>> -> memref<128x128xf32, #tpu.memory_space<hbm>>
      %dma_start3A_235 = arith.constant 0 : i32
      %dma_start3A_236 = tpu.memref_slice %arg3[%mul3A_136, %dma_start3A_235] : memref<100000x128xf32, #tpu.memory_space<hbm>> -> memref<128x128xf32, #tpu.memory_space<hbm>>
      tpu.enqueue_dma source(%arg5 : memref<128x128xf32, #tpu.memory_space<vmem>>) target(%dma_start3A_236 : memref<128x128xf32, #tpu.memory_space<hbm>>) target_semaphore(%arg7 : memref<!tpu.dma_semaphore, #tpu.memory_space<semaphore_mem>>)
      %dma_wait3A_237 = arith.constant 0 : i32
      %dma_wait3A_238 = tpu.memref_slice %arg3[%mul3A_136, %dma_wait3A_237] : memref<100000x128xf32, #tpu.memory_space<hbm>> -> memref<128x128xf32, #tpu.memory_space<hbm>>
      %dma_wait3A_239 = arith.constant 0 : i32
      %dma_wait3A_240 = tpu.memref_slice %arg3[%mul3A_136, %dma_wait3A_239] : memref<100000x128xf32, #tpu.memory_space<hbm>> -> memref<128x128xf32, #tpu.memory_space<hbm>>
      tpu.wait_dma2 semaphore(%arg7 : memref<!tpu.dma_semaphore, #tpu.memory_space<semaphore_mem>>) src(%arg5 : memref<128x128xf32, #tpu.memory_space<vmem>>) dst(%dma_wait3A_240 : memref<128x128xf32, #tpu.memory_space<hbm>>)
    } else {
    }
    %add3A_142 = arith.constant 512 : i32
    %add3A_143 = arith.addi %add3A, %add3A_142 : i32
    %mul3A_144 = arith.constant 128 : i32
    %mul3A_145 = arith.muli %add3A_143, %mul3A_144 : i32
    %lt3A_146 = arith.constant 781 : i32
    %lt3A_147 = arith.cmpi slt, %add3A_143, %lt3A_146 : i32
    %convert_element_type3A_148 = arith.extui %lt3A_147 : i1 to i32
    %cond3A_149 = arith.constant 0 : i32
    %cond3A_150 = arith.cmpi ne, %convert_element_type3A_148, %cond3A_149 : i32
    scf.if %cond3A_150 {
      %dma_start3A = arith.constant 0 : i32
      %dma_start3A_227 = tpu.memref_slice %arg2[%mul3A_145, %dma_start3A] : memref<100000x128xf32, #tpu.memory_space<hbm>> -> memref<128x128xf32, #tpu.memory_space<hbm>>
      %dma_start3A_228 = arith.constant 0 : i32
      %dma_start3A_229 = tpu.memref_slice %arg2[%mul3A_145, %dma_start3A_228] : memref<100000x128xf32, #tpu.memory_space<hbm>> -> memref<128x128xf32, #tpu.memory_space<hbm>>
      tpu.enqueue_dma source(%dma_start3A_229 : memref<128x128xf32, #tpu.memory_space<hbm>>) target(%arg4 : memref<128x128xf32, #tpu.memory_space<vmem>>) target_semaphore(%arg6 : memref<!tpu.dma_semaphore, #tpu.memory_space<semaphore_mem>>)
      %dma_wait3A = arith.constant 0 : i32
      %dma_wait3A_230 = tpu.memref_slice %arg2[%mul3A_145, %dma_wait3A] : memref<100000x128xf32, #tpu.memory_space<hbm>> -> memref<128x128xf32, #tpu.memory_space<hbm>>
      %dma_wait3A_231 = arith.constant 0 : i32
      %dma_wait3A_232 = tpu.memref_slice %arg2[%mul3A_145, %dma_wait3A_231] : memref<100000x128xf32, #tpu.memory_space<hbm>> -> memref<128x128xf32, #tpu.memory_space<hbm>>
      tpu.wait_dma2 semaphore(%arg6 : memref<!tpu.dma_semaphore, #tpu.memory_space<semaphore_mem>>) src(%dma_wait3A_232 : memref<128x128xf32, #tpu.memory_space<hbm>>) dst(%arg4 : memref<128x128xf32, #tpu.memory_space<vmem>>)
      %dma_start3A_233 = arith.constant 0 : i32
      %dma_start3A_234 = tpu.memref_slice %arg3[%mul3A_145, %dma_start3A_233] : memref<100000x128xf32, #tpu.memory_space<hbm>> -> memref<128x128xf32, #tpu.memory_space<hbm>>
      %dma_start3A_235 = arith.constant 0 : i32
      %dma_start3A_236 = tpu.memref_slice %arg3[%mul3A_145, %dma_start3A_235] : memref<100000x128xf32, #tpu.memory_space<hbm>> -> memref<128x128xf32, #tpu.memory_space<hbm>>
      tpu.enqueue_dma source(%arg4 : memref<128x128xf32, #tpu.memory_space<vmem>>) target(%dma_start3A_236 : memref<128x128xf32, #tpu.memory_space<hbm>>) target_semaphore(%arg6 : memref<!tpu.dma_semaphore, #tpu.memory_space<semaphore_mem>>)
      %dma_wait3A_237 = arith.constant 0 : i32
      %dma_wait3A_238 = tpu.memref_slice %arg3[%mul3A_145, %dma_wait3A_237] : memref<100000x128xf32, #tpu.memory_space<hbm>> -> memref<128x128xf32, #tpu.memory_space<hbm>>
      %dma_wait3A_239 = arith.constant 0 : i32
      %dma_wait3A_240 = tpu.memref_slice %arg3[%mul3A_145, %dma_wait3A_239] : memref<100000x128xf32, #tpu.memory_space<hbm>> -> memref<128x128xf32, #tpu.memory_space<hbm>>
      tpu.wait_dma2 semaphore(%arg6 : memref<!tpu.dma_semaphore, #tpu.memory_space<semaphore_mem>>) src(%arg4 : memref<128x128xf32, #tpu.memory_space<vmem>>) dst(%dma_wait3A_240 : memref<128x128xf32, #tpu.memory_space<hbm>>)
    } else {
    }
    %add3A_151 = arith.constant 544 : i32
    %add3A_152 = arith.addi %add3A, %add3A_151 : i32
    %mul3A_153 = arith.constant 128 : i32
    %mul3A_154 = arith.muli %add3A_152, %mul3A_153 : i32
    %lt3A_155 = arith.constant 781 : i32
    %lt3A_156 = arith.cmpi slt, %add3A_152, %lt3A_155 : i32
    %convert_element_type3A_157 = arith.extui %lt3A_156 : i1 to i32
    %cond3A_158 = arith.constant 0 : i32
    %cond3A_159 = arith.cmpi ne, %convert_element_type3A_157, %cond3A_158 : i32
    scf.if %cond3A_159 {
      %dma_start3A = arith.constant 0 : i32
      %dma_start3A_227 = tpu.memref_slice %arg2[%mul3A_154, %dma_start3A] : memref<100000x128xf32, #tpu.memory_space<hbm>> -> memref<128x128xf32, #tpu.memory_space<hbm>>
      %dma_start3A_228 = arith.constant 0 : i32
      %dma_start3A_229 = tpu.memref_slice %arg2[%mul3A_154, %dma_start3A_228] : memref<100000x128xf32, #tpu.memory_space<hbm>> -> memref<128x128xf32, #tpu.memory_space<hbm>>
      tpu.enqueue_dma source(%dma_start3A_229 : memref<128x128xf32, #tpu.memory_space<hbm>>) target(%arg5 : memref<128x128xf32, #tpu.memory_space<vmem>>) target_semaphore(%arg7 : memref<!tpu.dma_semaphore, #tpu.memory_space<semaphore_mem>>)
      %dma_wait3A = arith.constant 0 : i32
      %dma_wait3A_230 = tpu.memref_slice %arg2[%mul3A_154, %dma_wait3A] : memref<100000x128xf32, #tpu.memory_space<hbm>> -> memref<128x128xf32, #tpu.memory_space<hbm>>
      %dma_wait3A_231 = arith.constant 0 : i32
      %dma_wait3A_232 = tpu.memref_slice %arg2[%mul3A_154, %dma_wait3A_231] : memref<100000x128xf32, #tpu.memory_space<hbm>> -> memref<128x128xf32, #tpu.memory_space<hbm>>
      tpu.wait_dma2 semaphore(%arg7 : memref<!tpu.dma_semaphore, #tpu.memory_space<semaphore_mem>>) src(%dma_wait3A_232 : memref<128x128xf32, #tpu.memory_space<hbm>>) dst(%arg5 : memref<128x128xf32, #tpu.memory_space<vmem>>)
      %dma_start3A_233 = arith.constant 0 : i32
      %dma_start3A_234 = tpu.memref_slice %arg3[%mul3A_154, %dma_start3A_233] : memref<100000x128xf32, #tpu.memory_space<hbm>> -> memref<128x128xf32, #tpu.memory_space<hbm>>
      %dma_start3A_235 = arith.constant 0 : i32
      %dma_start3A_236 = tpu.memref_slice %arg3[%mul3A_154, %dma_start3A_235] : memref<100000x128xf32, #tpu.memory_space<hbm>> -> memref<128x128xf32, #tpu.memory_space<hbm>>
      tpu.enqueue_dma source(%arg5 : memref<128x128xf32, #tpu.memory_space<vmem>>) target(%dma_start3A_236 : memref<128x128xf32, #tpu.memory_space<hbm>>) target_semaphore(%arg7 : memref<!tpu.dma_semaphore, #tpu.memory_space<semaphore_mem>>)
      %dma_wait3A_237 = arith.constant 0 : i32
      %dma_wait3A_238 = tpu.memref_slice %arg3[%mul3A_154, %dma_wait3A_237] : memref<100000x128xf32, #tpu.memory_space<hbm>> -> memref<128x128xf32, #tpu.memory_space<hbm>>
      %dma_wait3A_239 = arith.constant 0 : i32
      %dma_wait3A_240 = tpu.memref_slice %arg3[%mul3A_154, %dma_wait3A_239] : memref<100000x128xf32, #tpu.memory_space<hbm>> -> memref<128x128xf32, #tpu.memory_space<hbm>>
      tpu.wait_dma2 semaphore(%arg7 : memref<!tpu.dma_semaphore, #tpu.memory_space<semaphore_mem>>) src(%arg5 : memref<128x128xf32, #tpu.memory_space<vmem>>) dst(%dma_wait3A_240 : memref<128x128xf32, #tpu.memory_space<hbm>>)
    } else {
    }
    %add3A_160 = arith.constant 576 : i32
    %add3A_161 = arith.addi %add3A, %add3A_160 : i32
    %mul3A_162 = arith.constant 128 : i32
    %mul3A_163 = arith.muli %add3A_161, %mul3A_162 : i32
    %lt3A_164 = arith.constant 781 : i32
    %lt3A_165 = arith.cmpi slt, %add3A_161, %lt3A_164 : i32
    %convert_element_type3A_166 = arith.extui %lt3A_165 : i1 to i32
    %cond3A_167 = arith.constant 0 : i32
    %cond3A_168 = arith.cmpi ne, %convert_element_type3A_166, %cond3A_167 : i32
    scf.if %cond3A_168 {
      %dma_start3A = arith.constant 0 : i32
      %dma_start3A_227 = tpu.memref_slice %arg2[%mul3A_163, %dma_start3A] : memref<100000x128xf32, #tpu.memory_space<hbm>> -> memref<128x128xf32, #tpu.memory_space<hbm>>
      %dma_start3A_228 = arith.constant 0 : i32
      %dma_start3A_229 = tpu.memref_slice %arg2[%mul3A_163, %dma_start3A_228] : memref<100000x128xf32, #tpu.memory_space<hbm>> -> memref<128x128xf32, #tpu.memory_space<hbm>>
      tpu.enqueue_dma source(%dma_start3A_229 : memref<128x128xf32, #tpu.memory_space<hbm>>) target(%arg4 : memref<128x128xf32, #tpu.memory_space<vmem>>) target_semaphore(%arg6 : memref<!tpu.dma_semaphore, #tpu.memory_space<semaphore_mem>>)
      %dma_wait3A = arith.constant 0 : i32
      %dma_wait3A_230 = tpu.memref_slice %arg2[%mul3A_163, %dma_wait3A] : memref<100000x128xf32, #tpu.memory_space<hbm>> -> memref<128x128xf32, #tpu.memory_space<hbm>>
      %dma_wait3A_231 = arith.constant 0 : i32
      %dma_wait3A_232 = tpu.memref_slice %arg2[%mul3A_163, %dma_wait3A_231] : memref<100000x128xf32, #tpu.memory_space<hbm>> -> memref<128x128xf32, #tpu.memory_space<hbm>>
      tpu.wait_dma2 semaphore(%arg6 : memref<!tpu.dma_semaphore, #tpu.memory_space<semaphore_mem>>) src(%dma_wait3A_232 : memref<128x128xf32, #tpu.memory_space<hbm>>) dst(%arg4 : memref<128x128xf32, #tpu.memory_space<vmem>>)
      %dma_start3A_233 = arith.constant 0 : i32
      %dma_start3A_234 = tpu.memref_slice %arg3[%mul3A_163, %dma_start3A_233] : memref<100000x128xf32, #tpu.memory_space<hbm>> -> memref<128x128xf32, #tpu.memory_space<hbm>>
      %dma_start3A_235 = arith.constant 0 : i32
      %dma_start3A_236 = tpu.memref_slice %arg3[%mul3A_163, %dma_start3A_235] : memref<100000x128xf32, #tpu.memory_space<hbm>> -> memref<128x128xf32, #tpu.memory_space<hbm>>
      tpu.enqueue_dma source(%arg4 : memref<128x128xf32, #tpu.memory_space<vmem>>) target(%dma_start3A_236 : memref<128x128xf32, #tpu.memory_space<hbm>>) target_semaphore(%arg6 : memref<!tpu.dma_semaphore, #tpu.memory_space<semaphore_mem>>)
      %dma_wait3A_237 = arith.constant 0 : i32
      %dma_wait3A_238 = tpu.memref_slice %arg3[%mul3A_163, %dma_wait3A_237] : memref<100000x128xf32, #tpu.memory_space<hbm>> -> memref<128x128xf32, #tpu.memory_space<hbm>>
      %dma_wait3A_239 = arith.constant 0 : i32
      %dma_wait3A_240 = tpu.memref_slice %arg3[%mul3A_163, %dma_wait3A_239] : memref<100000x128xf32, #tpu.memory_space<hbm>> -> memref<128x128xf32, #tpu.memory_space<hbm>>
      tpu.wait_dma2 semaphore(%arg6 : memref<!tpu.dma_semaphore, #tpu.memory_space<semaphore_mem>>) src(%arg4 : memref<128x128xf32, #tpu.memory_space<vmem>>) dst(%dma_wait3A_240 : memref<128x128xf32, #tpu.memory_space<hbm>>)
    } else {
    }
    %add3A_169 = arith.constant 608 : i32
    %add3A_170 = arith.addi %add3A, %add3A_169 : i32
    %mul3A_171 = arith.constant 128 : i32
    %mul3A_172 = arith.muli %add3A_170, %mul3A_171 : i32
    %lt3A_173 = arith.constant 781 : i32
    %lt3A_174 = arith.cmpi slt, %add3A_170, %lt3A_173 : i32
    %convert_element_type3A_175 = arith.extui %lt3A_174 : i1 to i32
    %cond3A_176 = arith.constant 0 : i32
    %cond3A_177 = arith.cmpi ne, %convert_element_type3A_175, %cond3A_176 : i32
    scf.if %cond3A_177 {
      %dma_start3A = arith.constant 0 : i32
      %dma_start3A_227 = tpu.memref_slice %arg2[%mul3A_172, %dma_start3A] : memref<100000x128xf32, #tpu.memory_space<hbm>> -> memref<128x128xf32, #tpu.memory_space<hbm>>
      %dma_start3A_228 = arith.constant 0 : i32
      %dma_start3A_229 = tpu.memref_slice %arg2[%mul3A_172, %dma_start3A_228] : memref<100000x128xf32, #tpu.memory_space<hbm>> -> memref<128x128xf32, #tpu.memory_space<hbm>>
      tpu.enqueue_dma source(%dma_start3A_229 : memref<128x128xf32, #tpu.memory_space<hbm>>) target(%arg5 : memref<128x128xf32, #tpu.memory_space<vmem>>) target_semaphore(%arg7 : memref<!tpu.dma_semaphore, #tpu.memory_space<semaphore_mem>>)
      %dma_wait3A = arith.constant 0 : i32
      %dma_wait3A_230 = tpu.memref_slice %arg2[%mul3A_172, %dma_wait3A] : memref<100000x128xf32, #tpu.memory_space<hbm>> -> memref<128x128xf32, #tpu.memory_space<hbm>>
      %dma_wait3A_231 = arith.constant 0 : i32
      %dma_wait3A_232 = tpu.memref_slice %arg2[%mul3A_172, %dma_wait3A_231] : memref<100000x128xf32, #tpu.memory_space<hbm>> -> memref<128x128xf32, #tpu.memory_space<hbm>>
      tpu.wait_dma2 semaphore(%arg7 : memref<!tpu.dma_semaphore, #tpu.memory_space<semaphore_mem>>) src(%dma_wait3A_232 : memref<128x128xf32, #tpu.memory_space<hbm>>) dst(%arg5 : memref<128x128xf32, #tpu.memory_space<vmem>>)
      %dma_start3A_233 = arith.constant 0 : i32
      %dma_start3A_234 = tpu.memref_slice %arg3[%mul3A_172, %dma_start3A_233] : memref<100000x128xf32, #tpu.memory_space<hbm>> -> memref<128x128xf32, #tpu.memory_space<hbm>>
      %dma_start3A_235 = arith.constant 0 : i32
      %dma_start3A_236 = tpu.memref_slice %arg3[%mul3A_172, %dma_start3A_235] : memref<100000x128xf32, #tpu.memory_space<hbm>> -> memref<128x128xf32, #tpu.memory_space<hbm>>
      tpu.enqueue_dma source(%arg5 : memref<128x128xf32, #tpu.memory_space<vmem>>) target(%dma_start3A_236 : memref<128x128xf32, #tpu.memory_space<hbm>>) target_semaphore(%arg7 : memref<!tpu.dma_semaphore, #tpu.memory_space<semaphore_mem>>)
      %dma_wait3A_237 = arith.constant 0 : i32
      %dma_wait3A_238 = tpu.memref_slice %arg3[%mul3A_172, %dma_wait3A_237] : memref<100000x128xf32, #tpu.memory_space<hbm>> -> memref<128x128xf32, #tpu.memory_space<hbm>>
      %dma_wait3A_239 = arith.constant 0 : i32
      %dma_wait3A_240 = tpu.memref_slice %arg3[%mul3A_172, %dma_wait3A_239] : memref<100000x128xf32, #tpu.memory_space<hbm>> -> memref<128x128xf32, #tpu.memory_space<hbm>>
      tpu.wait_dma2 semaphore(%arg7 : memref<!tpu.dma_semaphore, #tpu.memory_space<semaphore_mem>>) src(%arg5 : memref<128x128xf32, #tpu.memory_space<vmem>>) dst(%dma_wait3A_240 : memref<128x128xf32, #tpu.memory_space<hbm>>)
    } else {
    }
    %add3A_178 = arith.constant 640 : i32
    %add3A_179 = arith.addi %add3A, %add3A_178 : i32
    %mul3A_180 = arith.constant 128 : i32
    %mul3A_181 = arith.muli %add3A_179, %mul3A_180 : i32
    %lt3A_182 = arith.constant 781 : i32
    %lt3A_183 = arith.cmpi slt, %add3A_179, %lt3A_182 : i32
    %convert_element_type3A_184 = arith.extui %lt3A_183 : i1 to i32
    %cond3A_185 = arith.constant 0 : i32
    %cond3A_186 = arith.cmpi ne, %convert_element_type3A_184, %cond3A_185 : i32
    scf.if %cond3A_186 {
      %dma_start3A = arith.constant 0 : i32
      %dma_start3A_227 = tpu.memref_slice %arg2[%mul3A_181, %dma_start3A] : memref<100000x128xf32, #tpu.memory_space<hbm>> -> memref<128x128xf32, #tpu.memory_space<hbm>>
      %dma_start3A_228 = arith.constant 0 : i32
      %dma_start3A_229 = tpu.memref_slice %arg2[%mul3A_181, %dma_start3A_228] : memref<100000x128xf32, #tpu.memory_space<hbm>> -> memref<128x128xf32, #tpu.memory_space<hbm>>
      tpu.enqueue_dma source(%dma_start3A_229 : memref<128x128xf32, #tpu.memory_space<hbm>>) target(%arg4 : memref<128x128xf32, #tpu.memory_space<vmem>>) target_semaphore(%arg6 : memref<!tpu.dma_semaphore, #tpu.memory_space<semaphore_mem>>)
      %dma_wait3A = arith.constant 0 : i32
      %dma_wait3A_230 = tpu.memref_slice %arg2[%mul3A_181, %dma_wait3A] : memref<100000x128xf32, #tpu.memory_space<hbm>> -> memref<128x128xf32, #tpu.memory_space<hbm>>
      %dma_wait3A_231 = arith.constant 0 : i32
      %dma_wait3A_232 = tpu.memref_slice %arg2[%mul3A_181, %dma_wait3A_231] : memref<100000x128xf32, #tpu.memory_space<hbm>> -> memref<128x128xf32, #tpu.memory_space<hbm>>
      tpu.wait_dma2 semaphore(%arg6 : memref<!tpu.dma_semaphore, #tpu.memory_space<semaphore_mem>>) src(%dma_wait3A_232 : memref<128x128xf32, #tpu.memory_space<hbm>>) dst(%arg4 : memref<128x128xf32, #tpu.memory_space<vmem>>)
      %dma_start3A_233 = arith.constant 0 : i32
      %dma_start3A_234 = tpu.memref_slice %arg3[%mul3A_181, %dma_start3A_233] : memref<100000x128xf32, #tpu.memory_space<hbm>> -> memref<128x128xf32, #tpu.memory_space<hbm>>
      %dma_start3A_235 = arith.constant 0 : i32
      %dma_start3A_236 = tpu.memref_slice %arg3[%mul3A_181, %dma_start3A_235] : memref<100000x128xf32, #tpu.memory_space<hbm>> -> memref<128x128xf32, #tpu.memory_space<hbm>>
      tpu.enqueue_dma source(%arg4 : memref<128x128xf32, #tpu.memory_space<vmem>>) target(%dma_start3A_236 : memref<128x128xf32, #tpu.memory_space<hbm>>) target_semaphore(%arg6 : memref<!tpu.dma_semaphore, #tpu.memory_space<semaphore_mem>>)
      %dma_wait3A_237 = arith.constant 0 : i32
      %dma_wait3A_238 = tpu.memref_slice %arg3[%mul3A_181, %dma_wait3A_237] : memref<100000x128xf32, #tpu.memory_space<hbm>> -> memref<128x128xf32, #tpu.memory_space<hbm>>
      %dma_wait3A_239 = arith.constant 0 : i32
      %dma_wait3A_240 = tpu.memref_slice %arg3[%mul3A_181, %dma_wait3A_239] : memref<100000x128xf32, #tpu.memory_space<hbm>> -> memref<128x128xf32, #tpu.memory_space<hbm>>
      tpu.wait_dma2 semaphore(%arg6 : memref<!tpu.dma_semaphore, #tpu.memory_space<semaphore_mem>>) src(%arg4 : memref<128x128xf32, #tpu.memory_space<vmem>>) dst(%dma_wait3A_240 : memref<128x128xf32, #tpu.memory_space<hbm>>)
    } else {
    }
    %add3A_187 = arith.constant 672 : i32
    %add3A_188 = arith.addi %add3A, %add3A_187 : i32
    %mul3A_189 = arith.constant 128 : i32
    %mul3A_190 = arith.muli %add3A_188, %mul3A_189 : i32
    %lt3A_191 = arith.constant 781 : i32
    %lt3A_192 = arith.cmpi slt, %add3A_188, %lt3A_191 : i32
    %convert_element_type3A_193 = arith.extui %lt3A_192 : i1 to i32
    %cond3A_194 = arith.constant 0 : i32
    %cond3A_195 = arith.cmpi ne, %convert_element_type3A_193, %cond3A_194 : i32
    scf.if %cond3A_195 {
      %dma_start3A = arith.constant 0 : i32
      %dma_start3A_227 = tpu.memref_slice %arg2[%mul3A_190, %dma_start3A] : memref<100000x128xf32, #tpu.memory_space<hbm>> -> memref<128x128xf32, #tpu.memory_space<hbm>>
      %dma_start3A_228 = arith.constant 0 : i32
      %dma_start3A_229 = tpu.memref_slice %arg2[%mul3A_190, %dma_start3A_228] : memref<100000x128xf32, #tpu.memory_space<hbm>> -> memref<128x128xf32, #tpu.memory_space<hbm>>
      tpu.enqueue_dma source(%dma_start3A_229 : memref<128x128xf32, #tpu.memory_space<hbm>>) target(%arg5 : memref<128x128xf32, #tpu.memory_space<vmem>>) target_semaphore(%arg7 : memref<!tpu.dma_semaphore, #tpu.memory_space<semaphore_mem>>)
      %dma_wait3A = arith.constant 0 : i32
      %dma_wait3A_230 = tpu.memref_slice %arg2[%mul3A_190, %dma_wait3A] : memref<100000x128xf32, #tpu.memory_space<hbm>> -> memref<128x128xf32, #tpu.memory_space<hbm>>
      %dma_wait3A_231 = arith.constant 0 : i32
      %dma_wait3A_232 = tpu.memref_slice %arg2[%mul3A_190, %dma_wait3A_231] : memref<100000x128xf32, #tpu.memory_space<hbm>> -> memref<128x128xf32, #tpu.memory_space<hbm>>
      tpu.wait_dma2 semaphore(%arg7 : memref<!tpu.dma_semaphore, #tpu.memory_space<semaphore_mem>>) src(%dma_wait3A_232 : memref<128x128xf32, #tpu.memory_space<hbm>>) dst(%arg5 : memref<128x128xf32, #tpu.memory_space<vmem>>)
      %dma_start3A_233 = arith.constant 0 : i32
      %dma_start3A_234 = tpu.memref_slice %arg3[%mul3A_190, %dma_start3A_233] : memref<100000x128xf32, #tpu.memory_space<hbm>> -> memref<128x128xf32, #tpu.memory_space<hbm>>
      %dma_start3A_235 = arith.constant 0 : i32
      %dma_start3A_236 = tpu.memref_slice %arg3[%mul3A_190, %dma_start3A_235] : memref<100000x128xf32, #tpu.memory_space<hbm>> -> memref<128x128xf32, #tpu.memory_space<hbm>>
      tpu.enqueue_dma source(%arg5 : memref<128x128xf32, #tpu.memory_space<vmem>>) target(%dma_start3A_236 : memref<128x128xf32, #tpu.memory_space<hbm>>) target_semaphore(%arg7 : memref<!tpu.dma_semaphore, #tpu.memory_space<semaphore_mem>>)
      %dma_wait3A_237 = arith.constant 0 : i32
      %dma_wait3A_238 = tpu.memref_slice %arg3[%mul3A_190, %dma_wait3A_237] : memref<100000x128xf32, #tpu.memory_space<hbm>> -> memref<128x128xf32, #tpu.memory_space<hbm>>
      %dma_wait3A_239 = arith.constant 0 : i32
      %dma_wait3A_240 = tpu.memref_slice %arg3[%mul3A_190, %dma_wait3A_239] : memref<100000x128xf32, #tpu.memory_space<hbm>> -> memref<128x128xf32, #tpu.memory_space<hbm>>
      tpu.wait_dma2 semaphore(%arg7 : memref<!tpu.dma_semaphore, #tpu.memory_space<semaphore_mem>>) src(%arg5 : memref<128x128xf32, #tpu.memory_space<vmem>>) dst(%dma_wait3A_240 : memref<128x128xf32, #tpu.memory_space<hbm>>)
    } else {
    }
    %add3A_196 = arith.constant 704 : i32
    %add3A_197 = arith.addi %add3A, %add3A_196 : i32
    %mul3A_198 = arith.constant 128 : i32
    %mul3A_199 = arith.muli %add3A_197, %mul3A_198 : i32
    %lt3A_200 = arith.constant 781 : i32
    %lt3A_201 = arith.cmpi slt, %add3A_197, %lt3A_200 : i32
    %convert_element_type3A_202 = arith.extui %lt3A_201 : i1 to i32
    %cond3A_203 = arith.constant 0 : i32
    %cond3A_204 = arith.cmpi ne, %convert_element_type3A_202, %cond3A_203 : i32
    scf.if %cond3A_204 {
      %dma_start3A = arith.constant 0 : i32
      %dma_start3A_227 = tpu.memref_slice %arg2[%mul3A_199, %dma_start3A] : memref<100000x128xf32, #tpu.memory_space<hbm>> -> memref<128x128xf32, #tpu.memory_space<hbm>>
      %dma_start3A_228 = arith.constant 0 : i32
      %dma_start3A_229 = tpu.memref_slice %arg2[%mul3A_199, %dma_start3A_228] : memref<100000x128xf32, #tpu.memory_space<hbm>> -> memref<128x128xf32, #tpu.memory_space<hbm>>
      tpu.enqueue_dma source(%dma_start3A_229 : memref<128x128xf32, #tpu.memory_space<hbm>>) target(%arg4 : memref<128x128xf32, #tpu.memory_space<vmem>>) target_semaphore(%arg6 : memref<!tpu.dma_semaphore, #tpu.memory_space<semaphore_mem>>)
      %dma_wait3A = arith.constant 0 : i32
      %dma_wait3A_230 = tpu.memref_slice %arg2[%mul3A_199, %dma_wait3A] : memref<100000x128xf32, #tpu.memory_space<hbm>> -> memref<128x128xf32, #tpu.memory_space<hbm>>
      %dma_wait3A_231 = arith.constant 0 : i32
      %dma_wait3A_232 = tpu.memref_slice %arg2[%mul3A_199, %dma_wait3A_231] : memref<100000x128xf32, #tpu.memory_space<hbm>> -> memref<128x128xf32, #tpu.memory_space<hbm>>
      tpu.wait_dma2 semaphore(%arg6 : memref<!tpu.dma_semaphore, #tpu.memory_space<semaphore_mem>>) src(%dma_wait3A_232 : memref<128x128xf32, #tpu.memory_space<hbm>>) dst(%arg4 : memref<128x128xf32, #tpu.memory_space<vmem>>)
      %dma_start3A_233 = arith.constant 0 : i32
      %dma_start3A_234 = tpu.memref_slice %arg3[%mul3A_199, %dma_start3A_233] : memref<100000x128xf32, #tpu.memory_space<hbm>> -> memref<128x128xf32, #tpu.memory_space<hbm>>
      %dma_start3A_235 = arith.constant 0 : i32
      %dma_start3A_236 = tpu.memref_slice %arg3[%mul3A_199, %dma_start3A_235] : memref<100000x128xf32, #tpu.memory_space<hbm>> -> memref<128x128xf32, #tpu.memory_space<hbm>>
      tpu.enqueue_dma source(%arg4 : memref<128x128xf32, #tpu.memory_space<vmem>>) target(%dma_start3A_236 : memref<128x128xf32, #tpu.memory_space<hbm>>) target_semaphore(%arg6 : memref<!tpu.dma_semaphore, #tpu.memory_space<semaphore_mem>>)
      %dma_wait3A_237 = arith.constant 0 : i32
      %dma_wait3A_238 = tpu.memref_slice %arg3[%mul3A_199, %dma_wait3A_237] : memref<100000x128xf32, #tpu.memory_space<hbm>> -> memref<128x128xf32, #tpu.memory_space<hbm>>
      %dma_wait3A_239 = arith.constant 0 : i32
      %dma_wait3A_240 = tpu.memref_slice %arg3[%mul3A_199, %dma_wait3A_239] : memref<100000x128xf32, #tpu.memory_space<hbm>> -> memref<128x128xf32, #tpu.memory_space<hbm>>
      tpu.wait_dma2 semaphore(%arg6 : memref<!tpu.dma_semaphore, #tpu.memory_space<semaphore_mem>>) src(%arg4 : memref<128x128xf32, #tpu.memory_space<vmem>>) dst(%dma_wait3A_240 : memref<128x128xf32, #tpu.memory_space<hbm>>)
    } else {
    }
    %add3A_205 = arith.constant 736 : i32
    %add3A_206 = arith.addi %add3A, %add3A_205 : i32
    %mul3A_207 = arith.constant 128 : i32
    %mul3A_208 = arith.muli %add3A_206, %mul3A_207 : i32
    %lt3A_209 = arith.constant 781 : i32
    %lt3A_210 = arith.cmpi slt, %add3A_206, %lt3A_209 : i32
    %convert_element_type3A_211 = arith.extui %lt3A_210 : i1 to i32
    %cond3A_212 = arith.constant 0 : i32
    %cond3A_213 = arith.cmpi ne, %convert_element_type3A_211, %cond3A_212 : i32
    scf.if %cond3A_213 {
      %dma_start3A = arith.constant 0 : i32
      %dma_start3A_227 = tpu.memref_slice %arg2[%mul3A_208, %dma_start3A] : memref<100000x128xf32, #tpu.memory_space<hbm>> -> memref<128x128xf32, #tpu.memory_space<hbm>>
      %dma_start3A_228 = arith.constant 0 : i32
      %dma_start3A_229 = tpu.memref_slice %arg2[%mul3A_208, %dma_start3A_228] : memref<100000x128xf32, #tpu.memory_space<hbm>> -> memref<128x128xf32, #tpu.memory_space<hbm>>
      tpu.enqueue_dma source(%dma_start3A_229 : memref<128x128xf32, #tpu.memory_space<hbm>>) target(%arg5 : memref<128x128xf32, #tpu.memory_space<vmem>>) target_semaphore(%arg7 : memref<!tpu.dma_semaphore, #tpu.memory_space<semaphore_mem>>)
      %dma_wait3A = arith.constant 0 : i32
      %dma_wait3A_230 = tpu.memref_slice %arg2[%mul3A_208, %dma_wait3A] : memref<100000x128xf32, #tpu.memory_space<hbm>> -> memref<128x128xf32, #tpu.memory_space<hbm>>
      %dma_wait3A_231 = arith.constant 0 : i32
      %dma_wait3A_232 = tpu.memref_slice %arg2[%mul3A_208, %dma_wait3A_231] : memref<100000x128xf32, #tpu.memory_space<hbm>> -> memref<128x128xf32, #tpu.memory_space<hbm>>
      tpu.wait_dma2 semaphore(%arg7 : memref<!tpu.dma_semaphore, #tpu.memory_space<semaphore_mem>>) src(%dma_wait3A_232 : memref<128x128xf32, #tpu.memory_space<hbm>>) dst(%arg5 : memref<128x128xf32, #tpu.memory_space<vmem>>)
      %dma_start3A_233 = arith.constant 0 : i32
      %dma_start3A_234 = tpu.memref_slice %arg3[%mul3A_208, %dma_start3A_233] : memref<100000x128xf32, #tpu.memory_space<hbm>> -> memref<128x128xf32, #tpu.memory_space<hbm>>
      %dma_start3A_235 = arith.constant 0 : i32
      %dma_start3A_236 = tpu.memref_slice %arg3[%mul3A_208, %dma_start3A_235] : memref<100000x128xf32, #tpu.memory_space<hbm>> -> memref<128x128xf32, #tpu.memory_space<hbm>>
      tpu.enqueue_dma source(%arg5 : memref<128x128xf32, #tpu.memory_space<vmem>>) target(%dma_start3A_236 : memref<128x128xf32, #tpu.memory_space<hbm>>) target_semaphore(%arg7 : memref<!tpu.dma_semaphore, #tpu.memory_space<semaphore_mem>>)
      %dma_wait3A_237 = arith.constant 0 : i32
      %dma_wait3A_238 = tpu.memref_slice %arg3[%mul3A_208, %dma_wait3A_237] : memref<100000x128xf32, #tpu.memory_space<hbm>> -> memref<128x128xf32, #tpu.memory_space<hbm>>
      %dma_wait3A_239 = arith.constant 0 : i32
      %dma_wait3A_240 = tpu.memref_slice %arg3[%mul3A_208, %dma_wait3A_239] : memref<100000x128xf32, #tpu.memory_space<hbm>> -> memref<128x128xf32, #tpu.memory_space<hbm>>
      tpu.wait_dma2 semaphore(%arg7 : memref<!tpu.dma_semaphore, #tpu.memory_space<semaphore_mem>>) src(%arg5 : memref<128x128xf32, #tpu.memory_space<vmem>>) dst(%dma_wait3A_240 : memref<128x128xf32, #tpu.memory_space<hbm>>)
    } else {
    }
    %add3A_214 = arith.constant 768 : i32
    %add3A_215 = arith.addi %add3A, %add3A_214 : i32
    %mul3A_216 = arith.constant 128 : i32
    %mul3A_217 = arith.muli %add3A_215, %mul3A_216 : i32
    %lt3A_218 = arith.constant 781 : i32
    %lt3A_219 = arith.cmpi slt, %add3A_215, %lt3A_218 : i32
    %convert_element_type3A_220 = arith.extui %lt3A_219 : i1 to i32
    %cond3A_221 = arith.constant 0 : i32
    %cond3A_222 = arith.cmpi ne, %convert_element_type3A_220, %cond3A_221 : i32
    scf.if %cond3A_222 {
      %dma_start3A = arith.constant 0 : i32
      %dma_start3A_227 = tpu.memref_slice %arg2[%mul3A_217, %dma_start3A] : memref<100000x128xf32, #tpu.memory_space<hbm>> -> memref<128x128xf32, #tpu.memory_space<hbm>>
      %dma_start3A_228 = arith.constant 0 : i32
      %dma_start3A_229 = tpu.memref_slice %arg2[%mul3A_217, %dma_start3A_228] : memref<100000x128xf32, #tpu.memory_space<hbm>> -> memref<128x128xf32, #tpu.memory_space<hbm>>
      tpu.enqueue_dma source(%dma_start3A_229 : memref<128x128xf32, #tpu.memory_space<hbm>>) target(%arg4 : memref<128x128xf32, #tpu.memory_space<vmem>>) target_semaphore(%arg6 : memref<!tpu.dma_semaphore, #tpu.memory_space<semaphore_mem>>)
      %dma_wait3A = arith.constant 0 : i32
      %dma_wait3A_230 = tpu.memref_slice %arg2[%mul3A_217, %dma_wait3A] : memref<100000x128xf32, #tpu.memory_space<hbm>> -> memref<128x128xf32, #tpu.memory_space<hbm>>
      %dma_wait3A_231 = arith.constant 0 : i32
      %dma_wait3A_232 = tpu.memref_slice %arg2[%mul3A_217, %dma_wait3A_231] : memref<100000x128xf32, #tpu.memory_space<hbm>> -> memref<128x128xf32, #tpu.memory_space<hbm>>
      tpu.wait_dma2 semaphore(%arg6 : memref<!tpu.dma_semaphore, #tpu.memory_space<semaphore_mem>>) src(%dma_wait3A_232 : memref<128x128xf32, #tpu.memory_space<hbm>>) dst(%arg4 : memref<128x128xf32, #tpu.memory_space<vmem>>)
      %dma_start3A_233 = arith.constant 0 : i32
      %dma_start3A_234 = tpu.memref_slice %arg3[%mul3A_217, %dma_start3A_233] : memref<100000x128xf32, #tpu.memory_space<hbm>> -> memref<128x128xf32, #tpu.memory_space<hbm>>
      %dma_start3A_235 = arith.constant 0 : i32
      %dma_start3A_236 = tpu.memref_slice %arg3[%mul3A_217, %dma_start3A_235] : memref<100000x128xf32, #tpu.memory_space<hbm>> -> memref<128x128xf32, #tpu.memory_space<hbm>>
      tpu.enqueue_dma source(%arg4 : memref<128x128xf32, #tpu.memory_space<vmem>>) target(%dma_start3A_236 : memref<128x128xf32, #tpu.memory_space<hbm>>) target_semaphore(%arg6 : memref<!tpu.dma_semaphore, #tpu.memory_space<semaphore_mem>>)
      %dma_wait3A_237 = arith.constant 0 : i32
      %dma_wait3A_238 = tpu.memref_slice %arg3[%mul3A_217, %dma_wait3A_237] : memref<100000x128xf32, #tpu.memory_space<hbm>> -> memref<128x128xf32, #tpu.memory_space<hbm>>
      %dma_wait3A_239 = arith.constant 0 : i32
      %dma_wait3A_240 = tpu.memref_slice %arg3[%mul3A_217, %dma_wait3A_239] : memref<100000x128xf32, #tpu.memory_space<hbm>> -> memref<128x128xf32, #tpu.memory_space<hbm>>
      tpu.wait_dma2 semaphore(%arg6 : memref<!tpu.dma_semaphore, #tpu.memory_space<semaphore_mem>>) src(%arg4 : memref<128x128xf32, #tpu.memory_space<vmem>>) dst(%dma_wait3A_240 : memref<128x128xf32, #tpu.memory_space<hbm>>)
    } else {
    }
    %eq3A = arith.constant 13 : i32
    %eq3A_223 = arith.cmpi eq, %add3A, %eq3A : i32
    %convert_element_type3A_224 = arith.extui %eq3A_223 : i1 to i32
    %cond3A_225 = arith.constant 0 : i32
    %cond3A_226 = arith.cmpi ne, %convert_element_type3A_224, %cond3A_225 : i32
    scf.if %cond3A_226 {
      %dma_start3A = arith.constant 0 : i32
      %dma_start3A_227 = arith.constant 0 : i32
      %dma_start3A_228 = tpu.memref_slice %arg4[%dma_start3A, %dma_start3A_227] : memref<128x128xf32, #tpu.memory_space<vmem>> -> memref<32x128xf32, #tpu.memory_space<vmem>>
      %dma_start3A_229 = arith.constant 99968 : i32
      %dma_start3A_230 = arith.constant 0 : i32
      %dma_start3A_231 = tpu.memref_slice %arg2[%dma_start3A_229, %dma_start3A_230] : memref<100000x128xf32, #tpu.memory_space<hbm>> -> memref<32x128xf32, #tpu.memory_space<hbm>>
      %dma_start3A_232 = arith.constant 0 : i32
      %dma_start3A_233 = arith.constant 0 : i32
      %dma_start3A_234 = tpu.memref_slice %arg4[%dma_start3A_232, %dma_start3A_233] : memref<128x128xf32, #tpu.memory_space<vmem>> -> memref<32x128xf32, #tpu.memory_space<vmem>>
      %dma_start3A_235 = arith.constant 99968 : i32
      %dma_start3A_236 = arith.constant 0 : i32
      %dma_start3A_237 = tpu.memref_slice %arg2[%dma_start3A_235, %dma_start3A_236] : memref<100000x128xf32, #tpu.memory_space<hbm>> -> memref<32x128xf32, #tpu.memory_space<hbm>>
      tpu.enqueue_dma source(%dma_start3A_237 : memref<32x128xf32, #tpu.memory_space<hbm>>) target(%dma_start3A_234 : memref<32x128xf32, #tpu.memory_space<vmem>>) target_semaphore(%arg6 : memref<!tpu.dma_semaphore, #tpu.memory_space<semaphore_mem>>)
      %dma_wait3A = arith.constant 0 : i32
      %dma_wait3A_238 = arith.constant 0 : i32
      %dma_wait3A_239 = tpu.memref_slice %arg4[%dma_wait3A, %dma_wait3A_238] : memref<128x128xf32, #tpu.memory_space<vmem>> -> memref<32x128xf32, #tpu.memory_space<vmem>>
      %dma_wait3A_240 = arith.constant 99968 : i32
      %dma_wait3A_241 = arith.constant 0 : i32
      %dma_wait3A_242 = tpu.memref_slice %arg2[%dma_wait3A_240, %dma_wait3A_241] : memref<100000x128xf32, #tpu.memory_space<hbm>> -> memref<32x128xf32, #tpu.memory_space<hbm>>
      %dma_wait3A_243 = arith.constant 0 : i32
      %dma_wait3A_244 = arith.constant 0 : i32
      %dma_wait3A_245 = tpu.memref_slice %arg4[%dma_wait3A_243, %dma_wait3A_244] : memref<128x128xf32, #tpu.memory_space<vmem>> -> memref<32x128xf32, #tpu.memory_space<vmem>>
      %dma_wait3A_246 = arith.constant 99968 : i32
      %dma_wait3A_247 = arith.constant 0 : i32
      %dma_wait3A_248 = tpu.memref_slice %arg2[%dma_wait3A_246, %dma_wait3A_247] : memref<100000x128xf32, #tpu.memory_space<hbm>> -> memref<32x128xf32, #tpu.memory_space<hbm>>
      tpu.wait_dma2 semaphore(%arg6 : memref<!tpu.dma_semaphore, #tpu.memory_space<semaphore_mem>>) src(%dma_wait3A_248 : memref<32x128xf32, #tpu.memory_space<hbm>>) dst(%dma_wait3A_245 : memref<32x128xf32, #tpu.memory_space<vmem>>)
      %dma_start3A_249 = arith.constant 0 : i32
      %dma_start3A_250 = arith.constant 0 : i32
      %dma_start3A_251 = tpu.memref_slice %arg4[%dma_start3A_249, %dma_start3A_250] : memref<128x128xf32, #tpu.memory_space<vmem>> -> memref<32x128xf32, #tpu.memory_space<vmem>>
      %dma_start3A_252 = arith.constant 99968 : i32
      %dma_start3A_253 = arith.constant 0 : i32
      %dma_start3A_254 = tpu.memref_slice %arg3[%dma_start3A_252, %dma_start3A_253] : memref<100000x128xf32, #tpu.memory_space<hbm>> -> memref<32x128xf32, #tpu.memory_space<hbm>>
      %dma_start3A_255 = arith.constant 99968 : i32
      %dma_start3A_256 = arith.constant 0 : i32
      %dma_start3A_257 = tpu.memref_slice %arg3[%dma_start3A_255, %dma_start3A_256] : memref<100000x128xf32, #tpu.memory_space<hbm>> -> memref<32x128xf32, #tpu.memory_space<hbm>>
      %dma_start3A_258 = arith.constant 0 : i32
      %dma_start3A_259 = arith.constant 0 : i32
      %dma_start3A_260 = tpu.memref_slice %arg4[%dma_start3A_258, %dma_start3A_259] : memref<128x128xf32, #tpu.memory_space<vmem>> -> memref<32x128xf32, #tpu.memory_space<vmem>>
      tpu.enqueue_dma source(%dma_start3A_260 : memref<32x128xf32, #tpu.memory_space<vmem>>) target(%dma_start3A_257 : memref<32x128xf32, #tpu.memory_space<hbm>>) target_semaphore(%arg6 : memref<!tpu.dma_semaphore, #tpu.memory_space<semaphore_mem>>)
      %dma_wait3A_261 = arith.constant 0 : i32
      %dma_wait3A_262 = arith.constant 0 : i32
      %dma_wait3A_263 = tpu.memref_slice %arg4[%dma_wait3A_261, %dma_wait3A_262] : memref<128x128xf32, #tpu.memory_space<vmem>> -> memref<32x128xf32, #tpu.memory_space<vmem>>
      %dma_wait3A_264 = arith.constant 99968 : i32
      %dma_wait3A_265 = arith.constant 0 : i32
      %dma_wait3A_266 = tpu.memref_slice %arg3[%dma_wait3A_264, %dma_wait3A_265] : memref<100000x128xf32, #tpu.memory_space<hbm>> -> memref<32x128xf32, #tpu.memory_space<hbm>>
      %dma_wait3A_267 = arith.constant 99968 : i32
      %dma_wait3A_268 = arith.constant 0 : i32
      %dma_wait3A_269 = tpu.memref_slice %arg3[%dma_wait3A_267, %dma_wait3A_268] : memref<100000x128xf32, #tpu.memory_space<hbm>> -> memref<32x128xf32, #tpu.memory_space<hbm>>
      %dma_wait3A_270 = arith.constant 0 : i32
      %dma_wait3A_271 = arith.constant 0 : i32
      %dma_wait3A_272 = tpu.memref_slice %arg4[%dma_wait3A_270, %dma_wait3A_271] : memref<128x128xf32, #tpu.memory_space<vmem>> -> memref<32x128xf32, #tpu.memory_space<vmem>>
      tpu.wait_dma2 semaphore(%arg6 : memref<!tpu.dma_semaphore, #tpu.memory_space<semaphore_mem>>) src(%dma_wait3A_272 : memref<32x128xf32, #tpu.memory_space<vmem>>) dst(%dma_wait3A_269 : memref<32x128xf32, #tpu.memory_space<hbm>>)
    } else {
    }
    return
  }
}

module attributes {stable_mosaic.version = 14 : i64} {
  func.func @_scan_body(%arg0: i32, %arg1: memref<1xi32, #tpu.memory_space<smem>>, %arg2: memref<5000x128xf32, #tpu.memory_space<vmem>>, %arg3: memref<128x1xf32, #tpu.memory_space<vmem>>, %arg4: memref<128x1xf32, #tpu.memory_space<vmem>>, %arg5: memref<1x128xf32, #tpu.memory_space<vmem>>, %arg6: memref<5000x128xf32, #tpu.memory_space<vmem>>, %arg7: memref<1x1x5000xf32, #tpu.memory_space<vmem>>, %arg8: memref<8x128xf32, #tpu.memory_space<vmem>>, %arg9: memref<8x128xf32, #tpu.memory_space<vmem>>, %arg10: memref<1xf32, #tpu.memory_space<smem>>, %arg11: memref<1xi32, #tpu.memory_space<smem>>) attributes {dimension_semantics = [#tpu.dimension_semantics<arbitrary>], iteration_bounds = array<i64: 20>, scalar_prefetch = 1 : i64, scratch_operands = 3 : i64, tpu.core_type = #tpu.core_type<tc>, window_params = [{transform_indices = @transform_0, window_bounds = array<i64: 5000, 128>}, {pipeline_mode = #tpu.pipeline_mode<synchronous>, transform_indices = @transform_1, window_bounds = array<i64: 128, 1>}, {pipeline_mode = #tpu.pipeline_mode<synchronous>, transform_indices = @transform_2, window_bounds = array<i64: 128, 1>}, {pipeline_mode = #tpu.pipeline_mode<synchronous>, transform_indices = @transform_3, window_bounds = array<i64: 1, 128>}, {transform_indices = @transform_4, window_bounds = array<i64: 5000, 128>}, {transform_indices = @transform_5, window_bounds = array<i64: 1, 1, 5000>}, {pipeline_mode = #tpu.pipeline_mode<synchronous>, transform_indices = @transform_6, window_bounds = array<i64: 8, 128>}]} {
    %eq3A = arith.constant 0 : i32
    %eq3A_0 = arith.cmpi eq, %arg0, %eq3A : i32
    %convert_element_type3A = arith.extui %eq3A_0 : i1 to i32
    %cond3A = arith.constant 0 : i32
    %cond3A_1 = arith.cmpi ne, %convert_element_type3A, %cond3A : i32
    scf.if %cond3A_1 {
      %broadcast_in_dim3A_61 = arith.constant 0.000000e+00 : f32
      %broadcast_in_dim3A_62 = vector.broadcast %broadcast_in_dim3A_61 : f32 to vector<8x128xf32>
      %swap3A_63 = arith.constant 0 : index
      %swap3A_64 = arith.constant 0 : index
      %swap3A_65 = vector.load %arg9[%swap3A_63, %swap3A_64] : memref<8x128xf32, #tpu.memory_space<vmem>>, vector<8x128xf32>
      tpu.vector_store %arg9[%swap3A_63, %swap3A_64], %broadcast_in_dim3A_62 {strides = array<i32>} : memref<8x128xf32, #tpu.memory_space<vmem>>, vector<8x128xf32>,
      %swap3A_66 = arith.constant 0.000000e+00 : f32
      %swap3A_67 = arith.constant 0 : index
      %swap3A_68 = memref.load %arg10[%swap3A_67] : memref<1xf32, #tpu.memory_space<smem>>
      memref.store %swap3A_66, %arg10[%swap3A_67] : memref<1xf32, #tpu.memory_space<smem>>
      %swap3A_69 = arith.constant 100000 : i32
      %swap3A_70 = arith.constant 0 : index
      %swap3A_71 = memref.load %arg11[%swap3A_70] : memref<1xi32, #tpu.memory_space<smem>>
      memref.store %swap3A_69, %arg11[%swap3A_70] : memref<1xi32, #tpu.memory_space<smem>>
    } else {
    }
    %get3A = arith.constant 0 : index
    %get3A_2 = arith.constant 0 : index
    %get3A_3 = vector.load %arg2[%get3A, %get3A_2] : memref<5000x128xf32, #tpu.memory_space<vmem>>, vector<5000x128xf32>
    %get3A_4 = arith.constant 0 : index
    %get3A_5 = arith.constant 0 : index
    %get3A_6 = vector.load %arg3[%get3A_4, %get3A_5] : memref<128x1xf32, #tpu.memory_space<vmem>>, vector<128x1xf32>
    %dot_general3A = arith.constant dense<0.000000e+00> : vector<5000x1xf32>
    %dot_general3A_7 = tpu.matmul %get3A_3, %get3A_6, %dot_general3A {dimension_numbers = #tpu.dot_dimension_numbers<[1], [0], [0], [1], [0, 0, 1, 1], [], []>, transpose_lhs_hint = false} : vector<5000x128xf32>, vector<128x1xf32>, vector<5000x1xf32> -> vector<5000x1xf32>
    %mul3A = arith.mulf %get3A_3, %get3A_3 : vector<5000x128xf32>
    %get3A_8 = arith.constant 0 : index
    %get3A_9 = arith.constant 0 : index
    %get3A_10 = vector.load %arg4[%get3A_8, %get3A_9] : memref<128x1xf32, #tpu.memory_space<vmem>>, vector<128x1xf32>
    %dot_general3A_11 = arith.constant dense<0.000000e+00> : vector<5000x1xf32>
    %dot_general3A_12 = tpu.matmul %mul3A, %get3A_10, %dot_general3A_11 {dimension_numbers = #tpu.dot_dimension_numbers<[1], [0], [0], [1], [0, 0, 1, 1], [], []>, transpose_lhs_hint = false} : vector<5000x128xf32>, vector<128x1xf32>, vector<5000x1xf32> -> vector<5000x1xf32>
    %get3A_13 = arith.constant 0 : index
    %get3A_14 = arith.constant 0 : index
    %get3A_15 = vector.load %arg5[%get3A_13, %get3A_14] : memref<1x128xf32, #tpu.memory_space<vmem>>, vector<1x128xf32>
    %get3A_16 = vector.shape_cast %get3A_15 : vector<1x128xf32> to vector<128xf32>
    %mul3A_17 = arith.mulf %get3A_16, %get3A_16 : vector<128xf32>
    %reduce_sum3A = vector.shape_cast %mul3A_17 : vector<128xf32> to vector<1x128xf32>
    %reduce_sum3A_18 = arith.constant dense<0.000000e+00> : vector<1xf32>
    %reduce_sum3A_19 = vector.multi_reduction <add>, %reduce_sum3A, %reduce_sum3A_18 [1] : vector<1x128xf32> to vector<1xf32>
    %reduce_sum3A_20 = vector.shape_cast %reduce_sum3A_19 : vector<1xf32> to vector<1x1xf32>
    %reduce_sum3A_21 = vector.extract %reduce_sum3A_20[0, 0] : f32 from vector<1x1xf32>
    %sqrt3A = math.sqrt %reduce_sum3A_21 : f32
    %max3A = arith.constant 9.99999993E-9 : f32
    %max3A_22 = arith.maximumf %sqrt3A, %max3A : f32
    %max3A_23 = arith.constant 1.000000e-16 : f32
    %max3A_24 = vector.broadcast %max3A_23 : f32 to vector<5000x1xf32>
    %max3A_25 = arith.maximumf %dot_general3A_12, %max3A_24 : vector<5000x1xf32>
    %rsqrt3A = math.rsqrt %max3A_25 : vector<5000x1xf32>
    %div3A = arith.constant 1.000000e+00 : f32
    %div3A_26 = arith.divf %div3A, %max3A_22 : f32
    %mul3A_27 = vector.broadcast %div3A_26 : f32 to vector<5000x1xf32>
    %mul3A_28 = arith.mulf %rsqrt3A, %mul3A_27 : vector<5000x1xf32>
    %mul3A_29 = arith.mulf %dot_general3A_7, %mul3A_28 : vector<5000x1xf32>
    %reshape3A = vector.shape_cast %mul3A_29 : vector<5000x1xf32> to vector<1x5000xf32>
    %swap3A = arith.constant 0 : index
    %swap3A_30 = arith.constant 0 : index
    %swap3A_31 = arith.constant 0 : index
    %swap3A_32 = vector.load %arg7[%swap3A, %swap3A_30, %swap3A_31] : memref<1x1x5000xf32, #tpu.memory_space<vmem>>, vector<1x1x5000xf32>
    %swap3A_33 = vector.shape_cast %swap3A_32 : vector<1x1x5000xf32> to vector<1x5000xf32>
    %swap3A_34 = vector.shape_cast %reshape3A : vector<1x5000xf32> to vector<1x1x5000xf32>
    tpu.vector_store %arg7[%swap3A, %swap3A_30, %swap3A_31], %swap3A_34 {strides = array<i32>} : memref<1x1x5000xf32, #tpu.memory_space<vmem>>, vector<1x1x5000xf32>,
    %ge3A = arith.constant 0.949999988 : f32
    %ge3A_35 = vector.broadcast %ge3A : f32 to vector<5000x1xf32>
    %ge3A_36 = arith.cmpf oge, %mul3A_29, %ge3A_35 : vector<5000x1xf32>
    %jit3A = arith.constant 0.000000e+00 : f32
    %broadcast_in_dim3A = vector.shape_cast %ge3A_36 : vector<5000x1xi1> to vector<5000x1xi1>
    %broadcast_in_dim3A_37 = vector.broadcast %broadcast_in_dim3A : vector<5000x1xi1> to vector<5000x128xi1>
    %broadcast_in_dim3A_38 = vector.broadcast %jit3A : f32 to vector<5000x128xf32>
    %select_n3A = arith.select %broadcast_in_dim3A_37, %broadcast_in_dim3A_38, %get3A_3 : vector<5000x128xi1>, vector<5000x128xf32>
    %swap3A_39 = arith.constant 0 : index
    %swap3A_40 = arith.constant 0 : index
    %swap3A_41 = vector.load %arg6[%swap3A_39, %swap3A_40] : memref<5000x128xf32, #tpu.memory_space<vmem>>, vector<5000x128xf32>
    tpu.vector_store %arg6[%swap3A_39, %swap3A_40], %select_n3A {strides = array<i32>} : memref<5000x128xf32, #tpu.memory_space<vmem>>, vector<5000x128xf32>,
    %ge3A_42 = arith.constant 0.949999988 : f32
    %ge3A_43 = vector.broadcast %ge3A_42 : f32 to vector<1x5000xf32>
    %ge3A_44 = arith.cmpf oge, %reshape3A, %ge3A_43 : vector<1x5000xf32>
    %convert_element_type3A_45 = arith.extui %ge3A_44 : vector<1x5000xi1> to vector<1x5000xi32>
    %convert_element_type3A_46 = arith.sitofp %convert_element_type3A_45 : vector<1x5000xi32> to vector<1x5000xf32>
    %reduce_sum3A_47 = vector.shape_cast %convert_element_type3A_46 : vector<1x5000xf32> to vector<1x1x5000xf32>
    %reduce_sum3A_48 = arith.constant dense<0.000000e+00> : vector<1xf32>
    %reduce_sum3A_49 = vector.multi_reduction <add>, %reduce_sum3A_47, %reduce_sum3A_48 [1, 2] : vector<1x1x5000xf32> to vector<1xf32>
    %reduce_sum3A_50 = vector.shape_cast %reduce_sum3A_49 : vector<1xf32> to vector<1x1x1xf32>
    %reduce_sum3A_51 = vector.extract %reduce_sum3A_50[0, 0, 0] : f32 from vector<1x1x1xf32>
    %gt3A = arith.constant 0.000000e+00 : f32
    %gt3A_52 = arith.cmpf ogt, %reduce_sum3A_51, %gt3A : f32
    %convert_element_type3A_53 = arith.extui %gt3A_52 : i1 to i32
    %cond3A_54 = arith.constant 0 : i32
    %cond3A_55 = arith.cmpi ne, %convert_element_type3A_53, %cond3A_54 : i32
    scf.if %cond3A_55 {
      %get3A_61 = arith.constant 0 : index
      %get3A_62 = arith.constant 0 : index
      %get3A_63 = vector.load %arg9[%get3A_61, %get3A_62] : memref<8x128xf32, #tpu.memory_space<vmem>>, vector<1x128xf32>
      %jit3A_64 = arith.constant 0.000000e+00 : f32
      %broadcast_in_dim3A_65 = vector.shape_cast %ge3A_36 : vector<5000x1xi1> to vector<5000x1xi1>
      %broadcast_in_dim3A_66 = vector.broadcast %broadcast_in_dim3A_65 : vector<5000x1xi1> to vector<5000x128xi1>
      %broadcast_in_dim3A_67 = vector.broadcast %jit3A_64 : f32 to vector<5000x128xf32>
      %select_n3A_68 = arith.select %broadcast_in_dim3A_66, %get3A_3, %broadcast_in_dim3A_67 : vector<5000x128xi1>, vector<5000x128xf32>
      %reduce_sum3A_69 = arith.constant dense<0.000000e+00> : vector<128xf32>
      %reduce_sum3A_70 = vector.multi_reduction <add>, %select_n3A_68, %reduce_sum3A_69 [0] : vector<5000x128xf32> to vector<128xf32>
      %broadcast_in_dim3A_71 = vector.shape_cast %reduce_sum3A_70 : vector<128xf32> to vector<1x128xf32>
      %add3A = arith.addf %get3A_63, %broadcast_in_dim3A_71 : vector<1x128xf32>
      %swap3A_72 = arith.constant 0 : index
      %swap3A_73 = arith.constant 0 : index
      %swap3A_74 = vector.load %arg9[%swap3A_72, %swap3A_73] : memref<8x128xf32, #tpu.memory_space<vmem>>, vector<1x128xf32>
      tpu.vector_store %arg9[%swap3A_72, %swap3A_73], %add3A {strides = array<i32>} : memref<8x128xf32, #tpu.memory_space<vmem>>, vector<1x128xf32>,
      %get3A_75 = arith.constant 0 : index
      %get3A_76 = memref.load %arg10[%get3A_75] : memref<1xf32, #tpu.memory_space<smem>>
      %add3A_77 = arith.addf %get3A_76, %reduce_sum3A_51 : f32
      %swap3A_78 = arith.constant 0 : index
      %swap3A_79 = memref.load %arg10[%swap3A_78] : memref<1xf32, #tpu.memory_space<smem>>
      memref.store %add3A_77, %arg10[%swap3A_78] : memref<1xf32, #tpu.memory_space<smem>>
      %mul3A_80 = arith.constant 5000 : i32
      %mul3A_81 = arith.muli %arg0, %mul3A_80 : i32
      %iota3A = tpu.iota {dimensions = array<i32: 1>} : vector<1x5000xi32>
      %add3A_82 = vector.broadcast %mul3A_81 : i32 to vector<1x5000xi32>
      %add3A_83 = arith.addi %add3A_82, %iota3A : vector<1x5000xi32>
      %jit3A_84 = arith.constant 100000 : i32
      %broadcast_in_dim3A_85 = vector.broadcast %jit3A_84 : i32 to vector<1x5000xi32>
      %select_n3A_86 = arith.select %ge3A_44, %add3A_83, %broadcast_in_dim3A_85 : vector<1x5000xi1>, vector<1x5000xi32>
      %reduce_min3A = vector.shape_cast %select_n3A_86 : vector<1x5000xi32> to vector<1x1x5000xi32>
      %reduce_min3A_87 = arith.constant dense<2147483647> : vector<1xi32>
      %reduce_min3A_88 = vector.multi_reduction <minsi>, %reduce_min3A, %reduce_min3A_87 [1, 2] : vector<1x1x5000xi32> to vector<1xi32>
      %reduce_min3A_89 = vector.shape_cast %reduce_min3A_88 : vector<1xi32> to vector<1x1x1xi32>
      %reduce_min3A_90 = vector.extract %reduce_min3A_89[0, 0, 0] : i32 from vector<1x1x1xi32>
      %get3A_91 = arith.constant 0 : index
      %get3A_92 = memref.load %arg11[%get3A_91] : memref<1xi32, #tpu.memory_space<smem>>
      %min3A = arith.minsi %get3A_92, %reduce_min3A_90 : i32
      %swap3A_93 = arith.constant 0 : index
      %swap3A_94 = memref.load %arg11[%swap3A_93] : memref<1xi32, #tpu.memory_space<smem>>
      memref.store %min3A, %arg11[%swap3A_93] : memref<1xi32, #tpu.memory_space<smem>>
    } else {
    }
    %eq3A_56 = arith.constant 19 : i32
    %eq3A_57 = arith.cmpi eq, %arg0, %eq3A_56 : i32
    %convert_element_type3A_58 = arith.extui %eq3A_57 : i1 to i32
    %cond3A_59 = arith.constant 0 : i32
    %cond3A_60 = arith.cmpi ne, %convert_element_type3A_58, %cond3A_59 : i32
    scf.if %cond3A_60 {
      %iota3A = tpu.iota {dimensions = array<i32: 1>} : vector<1x128xi32>
      %eq3A_61 = arith.constant 0 : i32
      %eq3A_62 = vector.broadcast %eq3A_61 : i32 to vector<1x128xi32>
      %eq3A_63 = arith.cmpi eq, %iota3A, %eq3A_62 : vector<1x128xi32>
      %get3A_64 = arith.constant 0 : index
      %get3A_65 = memref.load %arg10[%get3A_64] : memref<1xf32, #tpu.memory_space<smem>>
      %eq3A_66 = arith.constant 1 : i32
      %eq3A_67 = vector.broadcast %eq3A_66 : i32 to vector<1x128xi32>
      %eq3A_68 = arith.cmpi eq, %iota3A, %eq3A_67 : vector<1x128xi32>
      %get3A_69 = arith.constant 0 : index
      %get3A_70 = memref.load %arg11[%get3A_69] : memref<1xi32, #tpu.memory_space<smem>>
      %convert_element_type3A_71 = arith.sitofp %get3A_70 : i32 to f32
      %jit3A_72 = arith.constant 0.000000e+00 : f32
      %broadcast_in_dim3A_73 = vector.broadcast %convert_element_type3A_71 : f32 to vector<1x128xf32>
      %broadcast_in_dim3A_74 = vector.broadcast %jit3A_72 : f32 to vector<1x128xf32>
      %select_n3A_75 = arith.select %eq3A_68, %broadcast_in_dim3A_73, %broadcast_in_dim3A_74 : vector<1x128xi1>, vector<1x128xf32>
      %broadcast_in_dim3A_76 = vector.broadcast %get3A_65 : f32 to vector<1x128xf32>
      %select_n3A_77 = arith.select %eq3A_63, %broadcast_in_dim3A_76, %select_n3A_75 : vector<1x128xi1>, vector<1x128xf32>
      %get3A_78 = arith.constant 0 : index
      %get3A_79 = arith.constant 0 : index
      %get3A_80 = vector.load %arg9[%get3A_78, %get3A_79] : memref<8x128xf32, #tpu.memory_space<vmem>>, vector<1x128xf32>
      %swap3A_81 = arith.constant 0 : index
      %swap3A_82 = arith.constant 0 : index
      %swap3A_83 = vector.load %arg8[%swap3A_81, %swap3A_82] : memref<8x128xf32, #tpu.memory_space<vmem>>, vector<1x128xf32>
      tpu.vector_store %arg8[%swap3A_81, %swap3A_82], %get3A_80 {strides = array<i32>} : memref<8x128xf32, #tpu.memory_space<vmem>>, vector<1x128xf32>,
      %swap3A_84 = arith.constant 1 : index
      %swap3A_85 = arith.constant 0 : index
      %swap3A_86 = vector.load %arg8[%swap3A_84, %swap3A_85] : memref<8x128xf32, #tpu.memory_space<vmem>>, vector<1x128xf32>
      tpu.vector_store %arg8[%swap3A_84, %swap3A_85], %select_n3A_77 {strides = array<i32>} : memref<8x128xf32, #tpu.memory_space<vmem>>, vector<1x128xf32>,
    } else {
    }
    return
  }
  func.func @transform_0(%arg0: i32, %arg1: memref<1xi32, #tpu.memory_space<smem>>) -> (i32, i32) {
    %c0_i32 = arith.constant 0 : i32
    %c0_i32_0 = arith.constant 0 : i32
    return %arg0, %c0_i32 : i32, i32
  }
  func.func @transform_1(%arg0: i32, %arg1: memref<1xi32, #tpu.memory_space<smem>>) -> (i32, i32) {
    %c0_i32 = arith.constant 0 : i32
    %c0_i32_0 = arith.constant 0 : i32
    %c0_i32_1 = arith.constant 0 : i32
    return %c0_i32, %c0_i32_0 : i32, i32
  }
  func.func @transform_2(%arg0: i32, %arg1: memref<1xi32, #tpu.memory_space<smem>>) -> (i32, i32) {
    %c0_i32 = arith.constant 0 : i32
    %c0_i32_0 = arith.constant 0 : i32
    %c0_i32_1 = arith.constant 0 : i32
    return %c0_i32, %c0_i32_0 : i32, i32
  }
  func.func @transform_3(%arg0: i32, %arg1: memref<1xi32, #tpu.memory_space<smem>>) -> (i32, i32) {
    %c0_i32 = arith.constant 0 : i32
    %c0_i32_0 = arith.constant 0 : i32
    %c0_i32_1 = arith.constant 0 : i32
    return %c0_i32, %c0_i32_0 : i32, i32
  }
  func.func @transform_4(%arg0: i32, %arg1: memref<1xi32, #tpu.memory_space<smem>>) -> (i32, i32) {
    %c0_i32 = arith.constant 0 : i32
    %c0_i32_0 = arith.constant 0 : i32
    return %arg0, %c0_i32 : i32, i32
  }
  func.func @transform_5(%arg0: i32, %arg1: memref<1xi32, #tpu.memory_space<smem>>) -> (i32, i32, i32) {
    %c0_i32 = arith.constant 0 : i32
    %c0_i32_0 = arith.constant 0 : i32
    %c0_i32_1 = arith.constant 0 : i32
    return %arg0, %c0_i32, %c0_i32_0 : i32, i32, i32
  }
  func.func @transform_6(%arg0: i32, %arg1: memref<1xi32, #tpu.memory_space<smem>>) -> (i32, i32) {
    %c0_i32 = arith.constant 0 : i32
    %c0_i32_0 = arith.constant 0 : i32
    %c0_i32_1 = arith.constant 0 : i32
    return %c0_i32, %c0_i32_0 : i32, i32
  }
}

module attributes {stable_mosaic.version = 14 : i64} {
  func.func @_fix_body(%arg0: i32, %arg1: memref<4xi32, #tpu.memory_space<smem>>, %arg2: memref<8x128xf32, #tpu.memory_space<vmem>>, %arg3: memref<8x128xf32, #tpu.memory_space<vmem>>, %arg4: memref<1x128xf32, #tpu.memory_space<vmem>>, %arg5: memref<8x128xf32, #tpu.memory_space<vmem>>, %arg6: memref<1x128xf32, #tpu.memory_space<vmem>>, %arg7: memref<8x128xf32, #tpu.memory_space<vmem>>, %arg8: memref<8x128xf32, #tpu.memory_space<vmem>>) attributes {dimension_semantics = [#tpu.dimension_semantics<arbitrary>], iteration_bounds = array<i64: 1>, scalar_prefetch = 1 : i64, scratch_operands = 0 : i64, tpu.core_type = #tpu.core_type<tc>, window_params = [{transform_indices = @transform_0, window_bounds = array<i64: 8, 128>}, {pipeline_mode = #tpu.pipeline_mode<synchronous>, transform_indices = @transform_1, window_bounds = array<i64: 8, 128>}, {pipeline_mode = #tpu.pipeline_mode<synchronous>, transform_indices = @transform_2, window_bounds = array<i64: 1, 128>}, {transform_indices = @transform_3, window_bounds = array<i64: 8, 128>}, {pipeline_mode = #tpu.pipeline_mode<synchronous>, transform_indices = @transform_4, window_bounds = array<i64: 1, 128>}, {transform_indices = @transform_5, window_bounds = array<i64: 8, 128>}, {transform_indices = @transform_6, window_bounds = array<i64: 8, 128>}]} {
    %get3A = arith.constant 0 : index
    %get3A_0 = memref.load %arg1[%get3A] : memref<4xi32, #tpu.memory_space<smem>>
    %get3A_1 = arith.constant 1 : index
    %get3A_2 = memref.load %arg1[%get3A_1] : memref<4xi32, #tpu.memory_space<smem>>
    %get3A_3 = arith.constant 2 : index
    %get3A_4 = memref.load %arg1[%get3A_3] : memref<4xi32, #tpu.memory_space<smem>>
    %convert_element_type3A = arith.sitofp %get3A_4 : i32 to f32
    %max3A = arith.constant 1.000000e+00 : f32
    %max3A_5 = arith.maximumf %convert_element_type3A, %max3A : f32
    %get3A_6 = arith.constant 0 : index
    %get3A_7 = arith.constant 0 : index
    %get3A_8 = vector.load %arg3[%get3A_6, %get3A_7] : memref<8x128xf32, #tpu.memory_space<vmem>>, vector<1x128xf32>
    %get3A_9 = arith.constant 0 : index
    %get3A_10 = arith.constant 0 : index
    %get3A_11 = vector.load %arg4[%get3A_9, %get3A_10] : memref<1x128xf32, #tpu.memory_space<vmem>>, vector<1x128xf32>
    %div3A = vector.broadcast %max3A_5 : f32 to vector<1x128xf32>
    %div3A_12 = arith.divf %get3A_8, %div3A : vector<1x128xf32>
    %mul3A = arith.constant 9.900000e-01 : f32
    %mul3A_13 = vector.broadcast %mul3A : f32 to vector<1x128xf32>
    %mul3A_14 = arith.mulf %div3A_12, %mul3A_13 : vector<1x128xf32>
    %mul3A_15 = arith.constant 0.00999999977 : f32
    %mul3A_16 = vector.broadcast %mul3A_15 : f32 to vector<1x128xf32>
    %mul3A_17 = arith.mulf %get3A_11, %mul3A_16 : vector<1x128xf32>
    %add3A = arith.addf %mul3A_14, %mul3A_17 : vector<1x128xf32>
    %gt3A = arith.constant 0 : i32
    %gt3A_18 = arith.cmpi sgt, %get3A_2, %gt3A : i32
    %select_n3A = arith.select %gt3A_18, %add3A, %get3A_11 : vector<1x128xf32>
    %get3A_19 = arith.constant 0 : index
    %get3A_20 = arith.constant 0 : index
    %get3A_21 = vector.load %arg2[%get3A_19, %get3A_20] : memref<8x128xf32, #tpu.memory_space<vmem>>, vector<8x128xf32>
    %swap3A = arith.constant 0 : index
    %swap3A_22 = arith.constant 0 : index
    %swap3A_23 = vector.load %arg7[%swap3A, %swap3A_22] : memref<8x128xf32, #tpu.memory_space<vmem>>, vector<8x128xf32>
    tpu.vector_store %arg7[%swap3A, %swap3A_22], %get3A_21 {strides = array<i32>} : memref<8x128xf32, #tpu.memory_space<vmem>>, vector<8x128xf32>,
    %jit3A = arith.constant 8 : i32
    %div3A_24 = arith.divsi %get3A_0, %jit3A : i32
    %sign3A = arith.constant 0 : i32
    %sign3A_25 = arith.cmpi sgt, %get3A_0, %sign3A : i32
    %sign3A_26 = arith.extui %sign3A_25 : i1 to i32
    %sign3A_27 = arith.constant 0 : i32
    %sign3A_28 = arith.cmpi slt, %get3A_0, %sign3A_27 : i32
    %sign3A_29 = arith.extui %sign3A_28 : i1 to i32
    %sign3A_30 = arith.subi %sign3A_26, %sign3A_29 : i32
    %sign3A_31 = arith.constant 0 : i32
    %sign3A_32 = arith.cmpi sgt, %jit3A, %sign3A_31 : i32
    %sign3A_33 = arith.extui %sign3A_32 : i1 to i32
    %sign3A_34 = arith.constant 0 : i32
    %sign3A_35 = arith.cmpi slt, %jit3A, %sign3A_34 : i32
    %sign3A_36 = arith.extui %sign3A_35 : i1 to i32
    %sign3A_37 = arith.subi %sign3A_33, %sign3A_36 : i32
    %ne3A = arith.cmpi ne, %sign3A_30, %sign3A_37 : i32
    %rem3A = arith.remsi %get3A_0, %jit3A : i32
    %ne3A_38 = arith.constant 0 : i32
    %ne3A_39 = arith.cmpi ne, %rem3A, %ne3A_38 : i32
    %and3A = arith.andi %ne3A, %ne3A_39 : i1
    %sub3A = arith.constant 1 : i32
    %sub3A_40 = arith.subi %div3A_24, %sub3A : i32
    %select_n3A_41 = arith.select %and3A, %sub3A_40, %div3A_24 : i32
    %mul3A_42 = arith.constant 8 : i32
    %mul3A_43 = arith.muli %select_n3A_41, %mul3A_42 : i32
    %sub3A_44 = arith.subi %get3A_0, %mul3A_43 : i32
    %swap3A_45 = arith.index_cast %sub3A_44 : i32 to index
    %swap3A_46 = arith.constant 0 : index
    %swap3A_47 = vector.load %arg7[%swap3A_45, %swap3A_46] : memref<8x128xf32, #tpu.memory_space<vmem>>, vector<1x128xf32>
    tpu.vector_store %arg7[%swap3A_45, %swap3A_46], %select_n3A {strides = array<i32>} : memref<8x128xf32, #tpu.memory_space<vmem>>, vector<1x128xf32>,
    %get3A_48 = arith.constant 0 : index
    %get3A_49 = arith.constant 0 : index
    %get3A_50 = vector.load %arg5[%get3A_48, %get3A_49] : memref<8x128xf32, #tpu.memory_space<vmem>>, vector<8x128xf32>
    %swap3A_51 = arith.constant 0 : index
    %swap3A_52 = arith.constant 0 : index
    %swap3A_53 = vector.load %arg8[%swap3A_51, %swap3A_52] : memref<8x128xf32, #tpu.memory_space<vmem>>, vector<8x128xf32>
    tpu.vector_store %arg8[%swap3A_51, %swap3A_52], %get3A_50 {strides = array<i32>} : memref<8x128xf32, #tpu.memory_space<vmem>>, vector<8x128xf32>,
    %get3A_54 = arith.constant 3 : index
    %get3A_55 = memref.load %arg1[%get3A_54] : memref<4xi32, #tpu.memory_space<smem>>
    %jit3A_56 = arith.constant 8 : i32
    %div3A_57 = arith.divsi %get3A_55, %jit3A_56 : i32
    %sign3A_58 = arith.constant 0 : i32
    %sign3A_59 = arith.cmpi sgt, %get3A_55, %sign3A_58 : i32
    %sign3A_60 = arith.extui %sign3A_59 : i1 to i32
    %sign3A_61 = arith.constant 0 : i32
    %sign3A_62 = arith.cmpi slt, %get3A_55, %sign3A_61 : i32
    %sign3A_63 = arith.extui %sign3A_62 : i1 to i32
    %sign3A_64 = arith.subi %sign3A_60, %sign3A_63 : i32
    %sign3A_65 = arith.constant 0 : i32
    %sign3A_66 = arith.cmpi sgt, %jit3A_56, %sign3A_65 : i32
    %sign3A_67 = arith.extui %sign3A_66 : i1 to i32
    %sign3A_68 = arith.constant 0 : i32
    %sign3A_69 = arith.cmpi slt, %jit3A_56, %sign3A_68 : i32
    %sign3A_70 = arith.extui %sign3A_69 : i1 to i32
    %sign3A_71 = arith.subi %sign3A_67, %sign3A_70 : i32
    %ne3A_72 = arith.cmpi ne, %sign3A_64, %sign3A_71 : i32
    %rem3A_73 = arith.remsi %get3A_55, %jit3A_56 : i32
    %ne3A_74 = arith.constant 0 : i32
    %ne3A_75 = arith.cmpi ne, %rem3A_73, %ne3A_74 : i32
    %and3A_76 = arith.andi %ne3A_72, %ne3A_75 : i1
    %sub3A_77 = arith.constant 1 : i32
    %sub3A_78 = arith.subi %div3A_57, %sub3A_77 : i32
    %select_n3A_79 = arith.select %and3A_76, %sub3A_78, %div3A_57 : i32
    %mul3A_80 = arith.constant 8 : i32
    %mul3A_81 = arith.muli %select_n3A_79, %mul3A_80 : i32
    %sub3A_82 = arith.subi %get3A_55, %mul3A_81 : i32
    %get3A_83 = arith.constant 0 : index
    %get3A_84 = arith.constant 0 : index
    %get3A_85 = vector.load %arg6[%get3A_83, %get3A_84] : memref<1x128xf32, #tpu.memory_space<vmem>>, vector<1x128xf32>
    %swap3A_86 = arith.index_cast %sub3A_82 : i32 to index
    %swap3A_87 = arith.constant 0 : index
    %swap3A_88 = vector.load %arg8[%swap3A_86, %swap3A_87] : memref<8x128xf32, #tpu.memory_space<vmem>>, vector<1x128xf32>
    tpu.vector_store %arg8[%swap3A_86, %swap3A_87], %get3A_85 {strides = array<i32>} : memref<8x128xf32, #tpu.memory_space<vmem>>, vector<1x128xf32>,
    return
  }
  func.func @transform_0(%arg0: i32, %arg1: memref<4xi32, #tpu.memory_space<smem>>) -> (i32, i32) {
    %get3A = arith.constant 0 : index
    %get3A_0 = memref.load %arg1[%get3A] : memref<4xi32, #tpu.memory_space<smem>>
    %jit3A = arith.constant 8 : i32
    %div3A = arith.divsi %get3A_0, %jit3A : i32
    %sign3A = arith.constant 0 : i32
    %sign3A_1 = arith.cmpi sgt, %get3A_0, %sign3A : i32
    %sign3A_2 = arith.extui %sign3A_1 : i1 to i32
    %sign3A_3 = arith.constant 0 : i32
    %sign3A_4 = arith.cmpi slt, %get3A_0, %sign3A_3 : i32
    %sign3A_5 = arith.extui %sign3A_4 : i1 to i32
    %sign3A_6 = arith.subi %sign3A_2, %sign3A_5 : i32
    %sign3A_7 = arith.constant 0 : i32
    %sign3A_8 = arith.cmpi sgt, %jit3A, %sign3A_7 : i32
    %sign3A_9 = arith.extui %sign3A_8 : i1 to i32
    %sign3A_10 = arith.constant 0 : i32
    %sign3A_11 = arith.cmpi slt, %jit3A, %sign3A_10 : i32
    %sign3A_12 = arith.extui %sign3A_11 : i1 to i32
    %sign3A_13 = arith.subi %sign3A_9, %sign3A_12 : i32
    %ne3A = arith.cmpi ne, %sign3A_6, %sign3A_13 : i32
    %rem3A = arith.remsi %get3A_0, %jit3A : i32
    %ne3A_14 = arith.constant 0 : i32
    %ne3A_15 = arith.cmpi ne, %rem3A, %ne3A_14 : i32
    %and3A = arith.andi %ne3A, %ne3A_15 : i1
    %sub3A = arith.constant 1 : i32
    %sub3A_16 = arith.subi %div3A, %sub3A : i32
    %select_n3A = arith.select %and3A, %sub3A_16, %div3A : i32
    %c0_i32 = arith.constant 0 : i32
    %c0_i32_17 = arith.constant 0 : i32
    return %select_n3A, %c0_i32 : i32, i32
  }
  func.func @transform_1(%arg0: i32, %arg1: memref<4xi32, #tpu.memory_space<smem>>) -> (i32, i32) {
    %c0_i32 = arith.constant 0 : i32
    %c0_i32_0 = arith.constant 0 : i32
    %c0_i32_1 = arith.constant 0 : i32
    return %c0_i32, %c0_i32_0 : i32, i32
  }
  func.func @transform_2(%arg0: i32, %arg1: memref<4xi32, #tpu.memory_space<smem>>) -> (i32, i32) {
    %c0_i32 = arith.constant 0 : i32
    %c0_i32_0 = arith.constant 0 : i32
    %c0_i32_1 = arith.constant 0 : i32
    return %c0_i32, %c0_i32_0 : i32, i32
  }
  func.func @transform_3(%arg0: i32, %arg1: memref<4xi32, #tpu.memory_space<smem>>) -> (i32, i32) {
    %get3A = arith.constant 3 : index
    %get3A_0 = memref.load %arg1[%get3A] : memref<4xi32, #tpu.memory_space<smem>>
    %jit3A = arith.constant 8 : i32
    %div3A = arith.divsi %get3A_0, %jit3A : i32
    %sign3A = arith.constant 0 : i32
    %sign3A_1 = arith.cmpi sgt, %get3A_0, %sign3A : i32
    %sign3A_2 = arith.extui %sign3A_1 : i1 to i32
    %sign3A_3 = arith.constant 0 : i32
    %sign3A_4 = arith.cmpi slt, %get3A_0, %sign3A_3 : i32
    %sign3A_5 = arith.extui %sign3A_4 : i1 to i32
    %sign3A_6 = arith.subi %sign3A_2, %sign3A_5 : i32
    %sign3A_7 = arith.constant 0 : i32
    %sign3A_8 = arith.cmpi sgt, %jit3A, %sign3A_7 : i32
    %sign3A_9 = arith.extui %sign3A_8 : i1 to i32
    %sign3A_10 = arith.constant 0 : i32
    %sign3A_11 = arith.cmpi slt, %jit3A, %sign3A_10 : i32
    %sign3A_12 = arith.extui %sign3A_11 : i1 to i32
    %sign3A_13 = arith.subi %sign3A_9, %sign3A_12 : i32
    %ne3A = arith.cmpi ne, %sign3A_6, %sign3A_13 : i32
    %rem3A = arith.remsi %get3A_0, %jit3A : i32
    %ne3A_14 = arith.constant 0 : i32
    %ne3A_15 = arith.cmpi ne, %rem3A, %ne3A_14 : i32
    %and3A = arith.andi %ne3A, %ne3A_15 : i1
    %sub3A = arith.constant 1 : i32
    %sub3A_16 = arith.subi %div3A, %sub3A : i32
    %select_n3A = arith.select %and3A, %sub3A_16, %div3A : i32
    %c0_i32 = arith.constant 0 : i32
    %c0_i32_17 = arith.constant 0 : i32
    return %select_n3A, %c0_i32 : i32, i32
  }
  func.func @transform_4(%arg0: i32, %arg1: memref<4xi32, #tpu.memory_space<smem>>) -> (i32, i32) {
    %c0_i32 = arith.constant 0 : i32
    %c0_i32_0 = arith.constant 0 : i32
    %c0_i32_1 = arith.constant 0 : i32
    return %c0_i32, %c0_i32_0 : i32, i32
  }
  func.func @transform_5(%arg0: i32, %arg1: memref<4xi32, #tpu.memory_space<smem>>) -> (i32, i32) {
    %get3A = arith.constant 0 : index
    %get3A_0 = memref.load %arg1[%get3A] : memref<4xi32, #tpu.memory_space<smem>>
    %jit3A = arith.constant 8 : i32
    %div3A = arith.divsi %get3A_0, %jit3A : i32
    %sign3A = arith.constant 0 : i32
    %sign3A_1 = arith.cmpi sgt, %get3A_0, %sign3A : i32
    %sign3A_2 = arith.extui %sign3A_1 : i1 to i32
    %sign3A_3 = arith.constant 0 : i32
    %sign3A_4 = arith.cmpi slt, %get3A_0, %sign3A_3 : i32
    %sign3A_5 = arith.extui %sign3A_4 : i1 to i32
    %sign3A_6 = arith.subi %sign3A_2, %sign3A_5 : i32
    %sign3A_7 = arith.constant 0 : i32
    %sign3A_8 = arith.cmpi sgt, %jit3A, %sign3A_7 : i32
    %sign3A_9 = arith.extui %sign3A_8 : i1 to i32
    %sign3A_10 = arith.constant 0 : i32
    %sign3A_11 = arith.cmpi slt, %jit3A, %sign3A_10 : i32
    %sign3A_12 = arith.extui %sign3A_11 : i1 to i32
    %sign3A_13 = arith.subi %sign3A_9, %sign3A_12 : i32
    %ne3A = arith.cmpi ne, %sign3A_6, %sign3A_13 : i32
    %rem3A = arith.remsi %get3A_0, %jit3A : i32
    %ne3A_14 = arith.constant 0 : i32
    %ne3A_15 = arith.cmpi ne, %rem3A, %ne3A_14 : i32
    %and3A = arith.andi %ne3A, %ne3A_15 : i1
    %sub3A = arith.constant 1 : i32
    %sub3A_16 = arith.subi %div3A, %sub3A : i32
    %select_n3A = arith.select %and3A, %sub3A_16, %div3A : i32
    %c0_i32 = arith.constant 0 : i32
    %c0_i32_17 = arith.constant 0 : i32
    return %select_n3A, %c0_i32 : i32, i32
  }
  func.func @transform_6(%arg0: i32, %arg1: memref<4xi32, #tpu.memory_space<smem>>) -> (i32, i32) {
    %get3A = arith.constant 3 : index
    %get3A_0 = memref.load %arg1[%get3A] : memref<4xi32, #tpu.memory_space<smem>>
    %jit3A = arith.constant 8 : i32
    %div3A = arith.divsi %get3A_0, %jit3A : i32
    %sign3A = arith.constant 0 : i32
    %sign3A_1 = arith.cmpi sgt, %get3A_0, %sign3A : i32
    %sign3A_2 = arith.extui %sign3A_1 : i1 to i32
    %sign3A_3 = arith.constant 0 : i32
    %sign3A_4 = arith.cmpi slt, %get3A_0, %sign3A_3 : i32
    %sign3A_5 = arith.extui %sign3A_4 : i1 to i32
    %sign3A_6 = arith.subi %sign3A_2, %sign3A_5 : i32
    %sign3A_7 = arith.constant 0 : i32
    %sign3A_8 = arith.cmpi sgt, %jit3A, %sign3A_7 : i32
    %sign3A_9 = arith.extui %sign3A_8 : i1 to i32
    %sign3A_10 = arith.constant 0 : i32
    %sign3A_11 = arith.cmpi slt, %jit3A, %sign3A_10 : i32
    %sign3A_12 = arith.extui %sign3A_11 : i1 to i32
    %sign3A_13 = arith.subi %sign3A_9, %sign3A_12 : i32
    %ne3A = arith.cmpi ne, %sign3A_6, %sign3A_13 : i32
    %rem3A = arith.remsi %get3A_0, %jit3A : i32
    %ne3A_14 = arith.constant 0 : i32
    %ne3A_15 = arith.cmpi ne, %rem3A, %ne3A_14 : i32
    %and3A = arith.andi %ne3A, %ne3A_15 : i1
    %sub3A = arith.constant 1 : i32
    %sub3A_16 = arith.subi %div3A, %sub3A : i32
    %select_n3A = arith.select %and3A, %sub3A_16, %div3A : i32
    %c0_i32 = arith.constant 0 : i32
    %c0_i32_17 = arith.constant 0 : i32
    return %select_n3A, %c0_i32 : i32, i32
  }
}

</mosaic_0001>

<sc_bundles>
// kernel: kernel.5.cloned.1.call-start
scs
__scs_entry_jumppad:
0x0: {  	(pc) =	sbr.rel $0x88, $3  }
0x1: {  	(tag) =	ssettag $0x0;
	lr =	simm.s32 $0x1  }
0x2: {  	[smem:$0x3F9B] =	sst lr;
	_ =	strace $0xD0000000  }
0x3: {  	_ = 	snop  }
0x4: {  	_ = 	snop  }
0x5: {  	_ = 	snop  }
0x6: {  	_ = 	snop  }
0x7: {  	_ = 	snop  }
__scs_overlays_trampoline_lowered:
0x8: {  	[smem:$0x3FAA] =	sst s0  }
0x9: {  	[smem:$0x3FAB] =	sst s1  }
0xa: {  	[smem:$0x3FAC] =	sst s2  }
0xb: {  	[smem:$0x3FAD] =	sst s3  }
0xc: {  	[smem:$0x3FAE] =	sst s4  }
0xd: {  	[smem:$0x3FAF] =	sst s5  }
0xe: {  	[smem:$0x3FB0] =	sst s6  }
0xf: {  	[smem:$0x3FB1] =	sst s7  }
0x10: {  	[smem:$0x3FB2] =	sst s8  }
0x11: {  	[smem:$0x3FB3] =	sst s9;
	s0 =	simm.s32 @!p0 $0x0  }
0x12: {  	s1 =	sld [smem:$0x3F99];
	s0 =	simm.s32 @p0 $0x1  }
0x13: {  	[smem:$0x3FB4] =	sst s0;
	s0 =	simm.s32 @!p1 $0x0  }
0x14: {  	s2 =	sld [smem:$0x3F98];
	s0 =	simm.s32 @p1 $0x1  }
0x15: {  	[smem:$0x3FB5] =	sst s0;
	s0 =	simm.s32 @!p2 $0x0  }
0x16: {  	s3 =	sld [smem:$0x3FDB];
	s0 =	simm.s32 @p2 $0x1  }
0x17: {  	s4 =	simm.s32 $0x1BF5;
	[smem:$0x3FB7] =	sst s0  }
0x18: {  	s0 =	sld [smem:$0x3F9A];
	_ =	swait.ge [sflag:s4], $0x0  }
0x19: {  	s7 =	sld [smem:$0x3F9B]  }
0x1a: {  	s8 =	sadd.s32 $0xFFFFE003, lr  }
0x1b: {  	s9 =	sadd.s32 $0xFFFFFEF7, lr;
	s5 =	simm.s32 $0xFFFFFFFF;
	p2 =	slt.u32 s8, $0xFFFFF086  }
0x1c: {  	p1 =	slt.u32 s9, $0xF7A;
	s5 =	simm.s32 @!p2 $0x0  }
0x1d: {  	s5 =	simm.s32 @p1 $0x1;
	p0 =	seq.s32 s7, s2  }
0x1e: {  	s7 =	smul.u32 @!p0 $0xF7A, s2;
	p2 =	seq.s32 @!p0 s5, $0x0  }
0x1f: {  	s9 =	smul.u32 $0xF7A, s1;
	s8 =	simm.s32 @!p0 $0x1BF5;
	p2 =	por !p2, p0  }
0x20: {  	[sflag:s8] =	ssyncset.s32 @!p0 $0xFFFFF086;
	s6 =	sadd.s32 @!p0 s3, s7;
	s7 =	simm.s32 @!p0 $0x108  }
0x21: {  	s3 =	sadd.s32 s3, s9;
	s6 =	sadd.s32 @!p0 $0x88, s6;
	s7 =	simm.s32 @p2 $0x1082  }
0x22: {  	[simem:s7], [sflag:s8] =	dma.local @!p0 [hbm:s6], $0xF7A  }
0x23: {  	s9 =	sor.u32 $0xD0000000, s2;
	s6 =	simm.s32 $0x108;
	_ =	swait.ge @!p0 [sflag:s8], $0x0  }
0x24: {  	s3 =	sadd.s32 $0x88, s3;
	s6 =	simm.s32 @!p1 $0x1082;
	[sflag:s4] =	ssyncset.s32 $0xFFFFF086  }
0x25: {  	[simem:s6], [sflag:s4] =	dma.local [hbm:s3], $0xF7A  }
0x26: {  	[smem:$0x3F9B] =	sst s1;
	(tag) =	ssettag s2;
	_ =	strace s9  }
0x27: {  	s1 =	sld [smem:$0x3FAB]  }
0x28: {  	s2 =	sld [smem:$0x3FAC]  }
0x29: {  	s4 =	sld [smem:$0x3FAE]  }
0x2a: {  	p0 =	seq.s32 s5, $0x0;
	s5 =	sld [smem:$0x3FAF]  }
0x2b: {  	s6 =	sld [smem:$0x3FB0]  }
0x2c: {  	s7 =	sld [smem:$0x3FB1]  }
0x2d: {  	s3 =	simm.s32 $0x108;
	s8 =	sld [smem:$0x3FB2]  }
0x2e: {  	s3 =	simm.s32 @!p0 $0x1082;
	s9 =	sld [smem:$0x3FB3]  }
0x2f: {  	lr =	sadd.s32 s0, s3;
	s0 =	sld [smem:$0x3FAA]  }
0x30: {  	s3 =	sld [smem:$0x3FAD]  }
0x31: {  	[smem:$0x3FB6] =	sst s10  }
0x32: {  	s10 =	sld [smem:$0x3FB4];
	_ =	sdelay $0x3  }
0x33: {  	p0 =	seq.s32 s10, $0x1;
	s10 =	sld [smem:$0x3FB6];
	_ =	sdelay $0x3  }
0x34: {  	[smem:$0x3FB6] =	sst s10  }
0x35: {  	s10 =	sld [smem:$0x3FB5];
	_ =	sdelay $0x3  }
0x36: {  	p1 =	seq.s32 s10, $0x1;
	s10 =	sld [smem:$0x3FB6];
	_ =	sdelay $0x3  }
0x37: {  	[smem:$0x3FB6] =	sst s10  }
0x38: {  	s10 =	sld [smem:$0x3FB7]  }
0x39: {  	_ = 	snop;
	(pc) =	sbr.ind lr, $3  }
0x3a: {  	_ = 	snop  }
0x3b: {  	_ = 	snop  }
0x3c: {  	p2 =	seq.s32 s10, $0x1;
	s10 =	sld [smem:$0x3FB6]  }
0x3d: {  	_ =	shalt  }
0x3e: {  	_ =	shalt  }
0x3f: {  	_ =	shalt  }
0x40: {  	_ =	shalt  }
0x41: {  	_ =	shalt  }
0x42: {  	_ =	shalt  }
0x43: {  	_ =	shalt  }
0x44: {  	_ =	shalt  }
0x45: {  	_ =	shalt  }
0x46: {  	_ =	shalt  }
0x47: {  	_ =	shalt  }
0x48: {  	_ =	shalt  }
0x49: {  	_ =	shalt  }
0x4a: {  	_ =	shalt  }
0x4b: {  	_ =	shalt  }
0x4c: {  	_ =	shalt  }
0x4d: {  	_ =	shalt  }
0x4e: {  	_ =	shalt  }
0x4f: {  	_ =	shalt  }
0x50: {  	_ =	shalt  }
0x51: {  	_ =	shalt  }
0x52: {  	_ =	shalt  }
0x53: {  	_ =	shalt  }
0x54: {  	_ =	shalt  }
0x55: {  	_ =	shalt  }
0x56: {  	_ =	shalt  }
0x57: {  	_ =	shalt  }
0x58: {  	_ =	shalt  }
0x59: {  	_ =	shalt  }
0x5a: {  	_ =	shalt  }
0x5b: {  	_ =	shalt  }
0x5c: {  	_ =	shalt  }
0x5d: {  	_ =	shalt  }
0x5e: {  	_ =	shalt  }
0x5f: {  	_ =	shalt  }
0x60: {  	_ =	shalt  }
0x61: {  	_ =	shalt  }
0x62: {  	_ =	shalt  }
0x63: {  	_ =	shalt  }
0x64: {  	_ =	shalt  }
0x65: {  	_ =	shalt  }
0x66: {  	_ =	shalt  }
0x67: {  	_ =	shalt  }
0x68: {  	_ =	shalt  }
0x69: {  	_ =	shalt  }
0x6a: {  	_ =	shalt  }
0x6b: {  	_ =	shalt  }
0x6c: {  	_ =	shalt  }
0x6d: {  	_ =	shalt  }
0x6e: {  	_ =	shalt  }
0x6f: {  	_ =	shalt  }
0x70: {  	_ =	shalt  }
0x71: {  	_ =	shalt  }
0x72: {  	_ =	shalt  }
0x73: {  	_ =	shalt  }
0x74: {  	_ =	shalt  }
0x75: {  	_ =	shalt  }
0x76: {  	_ =	shalt  }
0x77: {  	_ =	shalt  }
0x78: {  	_ =	shalt  }
0x79: {  	_ =	shalt  }
0x7a: {  	_ =	shalt  }
0x7b: {  	_ =	shalt  }
0x7c: {  	_ =	shalt  }
0x7d: {  	_ =	shalt  }
0x7e: {  	_ =	shalt  }
0x7f: {  	_ =	shalt  }
0x80: {  	_ =	shalt  }
0x81: {  	_ =	shalt  }
0x82: {  	_ =	shalt  }
0x83: {  	_ =	shalt  }
0x84: {  	_ =	shalt  }
0x85: {  	_ =	shalt  }
0x86: {  	_ =	shalt  }
0x87: {  	_ =	shalt  }
.Lfunc_end0:
.L_simem_size_0:
called_computation_lowered:
.L_overlay_start_0:
0x88: {  	s2 =	sld [smem:$0x3FD9]  }
0x89: {  	s3 =	sld [smem:$0x3FFE];
	_ =	sdelay $0x1  }
0x8a: {  	s1 =	srdreg.scid  }
0x8b: {  	s0 =	sand.u32 $0x1, s1  }
0x8c: {  	s15 =	sshll.u32 s0, $0xA;
	s2 =	sadd.s32 s3, s2  }
0x8d: {  	s2 =	sadd.s32 s2, s15  }
0x8e: {  	[smem:$0x3FC2] =	sst s2  }
0x8f: {  	_ = 	snop  }
0x90: {  	s2 =	sld [smem:$0x3FD0];
	_ =	sdelay $0x2  }
0x91: {  	s4 =	simm.s32 $0xA;
	s5 =	simm.s32 $0x10;
	s16 =	sld [smem:$0x3FC6]  }
0x92: {  	[smem:s5], [sflag:s4] =	dma.local [hbm:s2], $0x1  }
0x93: {  	_ =	swait.eq [sflag:s4], $0x1  }
0x94: {  	[sflag:s4] =	ssyncset.done $0x0  }
0x95: {  	[sflag:s4] =	ssyncadd.s32 $0xFFFFFFFF  }
0x96: {  	s17 =	sld [smem:$0x11];
	(tm) =	ssettm $0x1  }
0x97: {  	s18 =	sld [smem:$0x3FFB];
	_ =	sdelay $0x3  }
0x98: {  	_ =	strace s18  }
0x99: {  	s4 =	sld [smem:$0x3FFC];
	_ =	sdelay $0x3  }
0x9a: {  	_ =	strace s4  }
0x9b: {  	s4 =	sld [smem:$0x3FFD];
	_ =	sdelay $0x3  }
0x9c: {  	_ =	strace s4  }
0x9d: {  	_ =	strace $0x8FFFFFFF  }
0x9e: {  	s19 =	sld [smem:$0x3FDB];
	_ =	sdelay $0x1  }
0x9f: {  	s20 =	simm.s32 $_scs_section_size  }
0xa0: {  	s6 =	simm.s32 $_size__tile_overlayer_lowered;
	s7 =	simm.s32 $_tile_overlayer_lowered  }
0xa1: {  	s23 =	simm.s32 $0x1BFF;
	s22 =	sshll.u32 s7, $0x1;
	s4 =	sadd.s32 s20, s19  }
0xa2: {  	s8 =	simm.s32 $0x0;
	s21 =	sshll.u32 s6, $0x1;
	s6 =	sadd.s32 s22, s4  }
0xa3: {  	[timem:s8], [sflag:s23] =	dma.local [hbm:s6], s21  }
0xa4: {  	_ =	swait.ge [sflag:s23], s21  }
0xa5: {  	s5 =	ssub.s32 $0x0, s21;
	[sflag:s23] =	ssyncset.done $0x0  }
0xa6: {  	[sflag:s23] =	ssyncadd.s32 s5;
	_ =	sdelay $0x1  }
0xa7: {  	s24 =	simm.s32 $0x1B8B  }
0xa8: {  	_ =	swait.ge [sflag:s24], $0x1  }
0xa9: {  	[sflag:s24] =	ssyncset.done $0x0  }
0xaa: {  	s25 =	simm.s32 $0x1B8E;
	[sflag:s24] =	ssyncadd.s32 $0xFFFFFFFF  }
0xab: {  	s26 =	simm.s32 $execute0_lowered;
	[smem:$0x3FD2] =	sst s25  }
0xac: {  	s5 =	sshll.u32 s26, $0x1;
	_ =	strace $0x80000046;
	[dreg:$0x1] =	wrdreg $0xFFFFFFFF  }
0xad: {  	s28 =	simm.s32 $_size_execute0_lowered;
	s4 =	sadd.s32 s4, s5;
	[dreg:$0x0] =	wrdreg $0x0  }
0xae: {  	s5 =	sshll.u32 s28, $0x1;
	[dreg:$0x2] =	wrdreg s4  }
0xaf: {  	[dreg:$0x3] =	wrdreg s5  }
0xb0: {  	[dreg:$0x4] =	wrdreg $0xC0  }
0xb1: {  	_ =	task [dreg:s8], $0x5FFFF  }
0xb2: {  	[dreg:$0x1] =	wrdreg $0xFFFFFFFF  }
0xb3: {  	[dreg:$0x0] =	wrdreg $0x60  }
0xb4: {  	[dreg:$0x2] =	wrdreg s16  }
0xb5: {  	[dreg:$0x3] =	wrdreg s17  }
0xb6: {  	[dreg:$0x4] =	wrdreg $0x9  }
0xb7: {  	_ =	task.clear_ibuf [dreg:s8], $0x5FFFF;
	_ =	strace $0x90000046  }
0xb8: {  	s29 =	simm.s32 $0x9;
	_ =	strace $0x80000048  }
0xb9: {  	_ =	swait.ge [sflag:s29], $0x1  }
0xba: {  	[sflag:s29] =	ssyncadd.s32 $0xFFFFFFFF  }
0xbb: {  	_ =	strace $0x90000048  }
0xbc: {  	_ =	sfence  }
0xbd: {  	s30 =	sld [smem:$0x0];
	_ =	sdelay $0x2  }
0xbe: {  	s31 =	sshll.u32 s1, $0xD;
	s1 =	sshrl.u32 s1, $0x2  }
0xbf: {  	s3 =	sand.u32 $0x4000, s31;
	s1 =	sadd.s32 s1, s30  }
0xc0: {  	s0 =	sor.u32 s3, s0;
	s1 =	sshll.u32 s1, $0x11  }
0xc1: {  	s0 =	sor.u32 s1, s0  }
0xc2: {  	s0 =	sadd.s32 $0x8F2B, s0  }
0xc3: {  	[sflag:s0] =	ssyncadd.remote.s32 $0x1  }
0xc4: {  	_ =	sfence.sel $0xFFFF  }
0xc5: {  	[dreg:$0x0] =	wrdreg $0xFFFFFFFF;
	(pc) =	sbr.abs _section_cstart, $3  }
0xc6: {  	[dreg:$0x1] =	wrdreg $0xFFFFFFFF  }
0xc7: {  	_ =	task.clear_ibuf [dreg:s8], $0x2FFFF;
	_ =	strace $0x9FFFFFFF  }
0xc8: {  	(tm) =	ssettm $0x7FFFFFFF  }
0xc9: {  	_ =	shalt  }
tec
execute0_lowered:
.L_overlay_start_1:
0x0: {  	(tag) =	ssettag $0x1  }
0x1: {  	s0 =	srdreg.scid;
	s28 =	stileid.u32  }
0x2: {  	s1 =	rddreg [dreg:$0x0];
	s4 =	sand.u32 $0x1, s0;
	s23 =	sshll.u32 s28, $0x1  }
0x3: {  	s5 =	rddreg [dreg:$0x1];
	s2 =	simm.s32 $0x0;
	s12 =	sor.u32 s4, s23  }
0x4: {  	[smem:$0x7FF] =	sst s2;
	s3 =	sshll.u32 s12, $0xB  }
0x5: {  	s29 =	rddreg [dreg:$0x2];
	_ =	strace $0x80000047;
	s24 =	sadd.s32 s1, s3  }
0x6: {  	s25 =	sadd.s32 s5, s3;
	s6 =	sor.u32 $0x10000, s3;
	[dreg:$0x3] =	wrdreg s24  }
0x7: {  	[dreg:$0x4] =	wrdreg s25;
	s26 =	sadd.s32 s1, s6  }
0x8: {  	s31 =	sor.u32 $0x20000, s3;
	s30 =	sadd.s32 s5, s6;
	[dreg:$0x5] =	wrdreg s26  }
0x9: {  	s7 =	sadd.s32 s1, s31;
	[dreg:$0x6] =	wrdreg s30  }
0xa: {  	s9 =	sor.u32 $0x30000, s3;
	s8 =	sadd.s32 s5, s31;
	[dreg:$0x7] =	wrdreg s7  }
0xb: {  	s10 =	sadd.s32 s1, s9;
	[dreg:$0x8] =	wrdreg s8  }
0xc: {  	s13 =	sor.u32 $0x40000, s3;
	s11 =	sadd.s32 s5, s9;
	[dreg:$0x9] =	wrdreg s10  }
0xd: {  	s14 =	sadd.s32 s1, s13;
	[dreg:$0xa] =	wrdreg s11  }
0xe: {  	s16 =	sor.u32 $0x50000, s3;
	s15 =	sadd.s32 s5, s13;
	[dreg:$0xb] =	wrdreg s14  }
0xf: {  	s17 =	sadd.s32 s1, s16;
	[dreg:$0xc] =	wrdreg s15  }
0x10: {  	s19 =	sor.u32 $0x60000, s3;
	s18 =	sadd.s32 s5, s16;
	[dreg:$0xd] =	wrdreg s17  }
0x11: {  	s20 =	sadd.s32 s1, s19;
	[dreg:$0xe] =	wrdreg s18  }
0x12: {  	s22 =	sor.u32 $0x70000, s3;
	s21 =	sadd.s32 s5, s19;
	[dreg:$0xf] =	wrdreg s20  }
0x13: {  	s23 =	sadd.s32 s1, s22;
	[dreg:$0x10] =	wrdreg s21  }
0x14: {  	s24 =	sadd.s32 s5, s22;
	s25 =	sor.u32 $0x80000, s3;
	[dreg:$0x11] =	wrdreg s23  }
0x15: {  	[dreg:$0x12] =	wrdreg s24;
	s26 =	sadd.s32 s1, s25  }
0x16: {  	s31 =	sor.u32 $0x90000, s3;
	s30 =	sadd.s32 s5, s25;
	[dreg:$0x13] =	wrdreg s26  }
0x17: {  	s4 =	ssub.s32 $0x2, s4;
	s7 =	sadd.s32 s1, s31;
	[dreg:$0x14] =	wrdreg s30  }
0x18: {  	s9 =	sor.u32 $0xA0000, s3;
	s8 =	sadd.s32 s5, s31;
	[dreg:$0x15] =	wrdreg s7  }
0x19: {  	s13 =	sor.u32 $0xB0000, s3;
	s10 =	sadd.s32 s1, s9;
	[dreg:$0x16] =	wrdreg s8  }
0x1a: {  	s16 =	sor.u32 $0xC0000, s3;
	s11 =	sadd.s32 s5, s9;
	[dreg:$0x17] =	wrdreg s10  }
0x1b: {  	s19 =	sor.u32 $0xD0000, s3;
	s14 =	sadd.s32 s1, s13;
	[dreg:$0x18] =	wrdreg s11  }
0x1c: {  	s22 =	sor.u32 $0xE0000, s3;
	s15 =	sadd.s32 s5, s13;
	[dreg:$0x19] =	wrdreg s14  }
0x1d: {  	s6 =	sor.u32 $0x130000, s3;
	s17 =	sadd.s32 s1, s16;
	[dreg:$0x1a] =	wrdreg s15  }
0x1e: {  	s18 =	sadd.s32 s5, s16;
	s20 =	sadd.s32 s1, s19;
	[dreg:$0x1b] =	wrdreg s17  }
0x1f: {  	s21 =	sadd.s32 s5, s19;
	s23 =	sadd.s32 s1, s22;
	[dreg:$0x1c] =	wrdreg s18  }
0x20: {  	s24 =	sadd.s32 s5, s22;
	s25 =	sor.u32 $0xF0000, s3;
	[dreg:$0x1d] =	wrdreg s20  }
0x21: {  	s31 =	sor.u32 $0x110000, s3;
	s19 =	sadd.s32 s1, s6;
	[dreg:$0x1e] =	wrdreg s21  }
0x22: {  	s9 =	sor.u32 $0x160000, s3;
	s7 =	sshrl.u32 s4, $0x1;
	[dreg:$0x1f] =	wrdreg s23  }
0x23: {  	[smem:$0x7FC] =	sst s24;
	s26 =	sadd.s32 s1, s25;
	s30 =	sor.u32 $0x100000, s3  }
0x24: {  	s23 =	sadd.s32 s1, s31;
	s22 =	sadd.s32 s5, s31;
	s18 =	sadd.s32 s5, s6  }
0x25: {  	s8 =	sor.u32 $0x150000, s3;
	s10 =	sadd.s32 s1, s9;
	s15 =	sor.u32 $0x170000, s3  }
0x26: {  	s6 =	sadd.s32 $0x186800, s1;
	s14 =	ssub.s32 s4, s7;
	[smem:$0x7FD] =	sst s26  }
0x27: {  	s26 =	sadd.s32 s5, s25;
	s25 =	sadd.s32 s1, s30;
	s24 =	sadd.s32 s5, s30  }
0x28: {  	s4 =	sor.u32 $0x120000, s3;
	s7 =	sor.u32 $0x140000, s3;
	s13 =	sadd.s32 s1, s8  }
0x29: {  	s11 =	sadd.s32 s5, s8;
	s8 =	sadd.s32 s1, s15;
	s30 =	sor.u32 $0x180000, s3  }
0x2a: {  	s21 =	sadd.s32 s1, s4;
	s20 =	sadd.s32 s5, s4;
	s31 =	smax.u32 s14, $0x1  }
0x2b: {  	s17 =	sadd.s32 s1, s7;
	s4 =	sadd.s32 s1, s30;
	s1 =	sadd.s32 $0xFFFFFFFF, s31  }
0x2c: {  	p3 =	sne.s32 s1, $0x0  }
.Ltmp0:
0x2d: {  	p0 =	sgt.u32 s12, $0xC;
	(pc) =	sbr.rel @!p3 .LBB2_1-.Ltmp0, $4  }
0x2e: {  	p2 =	por $0x0, $0x0;
	p1 =	sne.s32 @p0 s12, $0xD;
	s12 =	simm.s32 $0x2  }
0x2f: {  	p1 =	por p1, !p0;
	s0 =	rddreg [dreg:$0x3];
	s9 =	sadd.s32 s5, s9  }
0x30: {  	s16 =	sadd.s32 s5, s7;
	s7 =	sadd.s32 s5, s15;
	s3 =	sadd.s32 s5, s30  }
0x31: {  	s5 =	sadd.s32 $0x186800, s5;
	s14 =	simm.s32 $0x1;
	s15 =	simm.s32 $0x4000  }
0x32: {  	[tilespmem:s2], [sflag:$0x1] =	stream.linear.gather [hbm4b:s0+s2], $0x4000, $0x38;
	[tilespmem:$0x8000] =	vst v63  }
0x33: {  	_ =	swait.ge [sflag:s14], $0x4000  }
0x34: {  	[sflag:s14] =	ssyncset.done $0x0  }
0x35: {  	s0 =	rddreg [dreg:$0x4];
	[sflag:s14] =	ssyncadd.s32 $0xFFFFC000  }
0x36: {  	[hbm4b:s0+s2] =	stream.linear.scatter [tilespmem:s2], [sflag:$0x1], $0x4000, $0x38;
	[tilespmem:$0x8000] =	vst v63  }
0x37: {  	_ =	swait.ge [sflag:s14], $0x4000  }
0x38: {  	[sflag:s14] =	ssyncset.done $0x0  }
0x39: {  	s0 =	rddreg [dreg:$0x5];
	[sflag:s14] =	ssyncadd.s32 $0xFFFFC000  }
0x3a: {  	[tilespmem:s15], [sflag:$0x2] =	stream.linear.gather [hbm4b:s0+s2], $0x4000, $0x38;
	[tilespmem:$0x8000] =	vst v63  }
0x3b: {  	_ =	swait.ge [sflag:s12], $0x4000  }
0x3c: {  	[sflag:s12] =	ssyncset.done $0x0  }
0x3d: {  	s0 =	rddreg [dreg:$0x6];
	[sflag:s12] =	ssyncadd.s32 $0xFFFFC000  }
0x3e: {  	[hbm4b:s0+s2] =	stream.linear.scatter [tilespmem:s15], [sflag:$0x2], $0x4000, $0x38;
	[tilespmem:$0x8000] =	vst v63  }
0x3f: {  	_ =	swait.ge [sflag:s12], $0x4000  }
0x40: {  	[sflag:s12] =	ssyncset.done $0x0  }
0x41: {  	s0 =	rddreg [dreg:$0x7];
	[sflag:s12] =	ssyncadd.s32 $0xFFFFC000  }
0x42: {  	[tilespmem:s2], [sflag:$0x1] =	stream.linear.gather [hbm4b:s0+s2], $0x4000, $0x38;
	[tilespmem:$0x8000] =	vst v63  }
0x43: {  	_ =	swait.ge [sflag:s14], $0x4000  }
0x44: {  	[sflag:s14] =	ssyncset.done $0x0  }
0x45: {  	s0 =	rddreg [dreg:$0x8];
	[sflag:s14] =	ssyncadd.s32 $0xFFFFC000  }
0x46: {  	[hbm4b:s0+s2] =	stream.linear.scatter [tilespmem:s2], [sflag:$0x1], $0x4000, $0x38;
	[tilespmem:$0x8000] =	vst v63  }
0x47: {  	_ =	swait.ge [sflag:s14], $0x4000  }
0x48: {  	[sflag:s14] =	ssyncset.done $0x0  }
0x49: {  	s0 =	rddreg [dreg:$0x9];
	[sflag:s14] =	ssyncadd.s32 $0xFFFFC000  }
0x4a: {  	[tilespmem:s15], [sflag:$0x2] =	stream.linear.gather [hbm4b:s0+s2], $0x4000, $0x38;
	[tilespmem:$0x8000] =	vst v63  }
0x4b: {  	_ =	swait.ge [sflag:s12], $0x4000  }
0x4c: {  	[sflag:s12] =	ssyncset.done $0x0  }
0x4d: {  	s0 =	rddreg [dreg:$0xa];
	[sflag:s12] =	ssyncadd.s32 $0xFFFFC000  }
0x4e: {  	[hbm4b:s0+s2] =	stream.linear.scatter [tilespmem:s15], [sflag:$0x2], $0x4000, $0x38;
	[tilespmem:$0x8000] =	vst v63  }
0x4f: {  	_ =	swait.ge [sflag:s12], $0x4000  }
0x50: {  	[sflag:s12] =	ssyncset.done $0x0  }
0x51: {  	s0 =	rddreg [dreg:$0xb];
	[sflag:s12] =	ssyncadd.s32 $0xFFFFC000  }
0x52: {  	[tilespmem:s2], [sflag:$0x1] =	stream.linear.gather [hbm4b:s0+s2], $0x4000, $0x38;
	[tilespmem:$0x8000] =	vst v63  }
0x53: {  	_ =	swait.ge [sflag:s14], $0x4000  }
0x54: {  	[sflag:s14] =	ssyncset.done $0x0  }
0x55: {  	s0 =	rddreg [dreg:$0xc];
	[sflag:s14] =	ssyncadd.s32 $0xFFFFC000  }
0x56: {  	[hbm4b:s0+s2] =	stream.linear.scatter [tilespmem:s2], [sflag:$0x1], $0x4000, $0x38;
	[tilespmem:$0x8000] =	vst v63  }
0x57: {  	_ =	swait.ge [sflag:s14], $0x4000  }
0x58: {  	[sflag:s14] =	ssyncset.done $0x0  }
0x59: {  	s0 =	rddreg [dreg:$0xd];
	[sflag:s14] =	ssyncadd.s32 $0xFFFFC000  }
0x5a: {  	[tilespmem:s15], [sflag:$0x2] =	stream.linear.gather [hbm4b:s0+s2], $0x4000, $0x38;
	[tilespmem:$0x8000] =	vst v63  }
0x5b: {  	_ =	swait.ge [sflag:s12], $0x4000  }
0x5c: {  	[sflag:s12] =	ssyncset.done $0x0  }
0x5d: {  	s0 =	rddreg [dreg:$0xe];
	[sflag:s12] =	ssyncadd.s32 $0xFFFFC000  }
0x5e: {  	[hbm4b:s0+s2] =	stream.linear.scatter [tilespmem:s15], [sflag:$0x2], $0x4000, $0x38;
	[tilespmem:$0x8000] =	vst v63  }
0x5f: {  	_ =	swait.ge [sflag:s12], $0x4000  }
0x60: {  	[sflag:s12] =	ssyncset.done $0x0  }
0x61: {  	s0 =	rddreg [dreg:$0xf];
	[sflag:s12] =	ssyncadd.s32 $0xFFFFC000  }
0x62: {  	[tilespmem:s2], [sflag:$0x1] =	stream.linear.gather [hbm4b:s0+s2], $0x4000, $0x38;
	[tilespmem:$0x8000] =	vst v63  }
0x63: {  	_ =	swait.ge [sflag:s14], $0x4000  }
0x64: {  	[sflag:s14] =	ssyncset.done $0x0  }
0x65: {  	s0 =	rddreg [dreg:$0x10];
	[sflag:s14] =	ssyncadd.s32 $0xFFFFC000  }
0x66: {  	[hbm4b:s0+s2] =	stream.linear.scatter [tilespmem:s2], [sflag:$0x1], $0x4000, $0x38;
	[tilespmem:$0x8000] =	vst v63  }
0x67: {  	_ =	swait.ge [sflag:s14], $0x4000  }
0x68: {  	[sflag:s14] =	ssyncset.done $0x0  }
0x69: {  	s0 =	rddreg [dreg:$0x11];
	[sflag:s14] =	ssyncadd.s32 $0xFFFFC000  }
0x6a: {  	[tilespmem:s15], [sflag:$0x2] =	stream.linear.gather [hbm4b:s0+s2], $0x4000, $0x38;
	[tilespmem:$0x8000] =	vst v63  }
0x6b: {  	_ =	swait.ge [sflag:s12], $0x4000  }
0x6c: {  	[sflag:s12] =	ssyncset.done $0x0  }
0x6d: {  	s0 =	rddreg [dreg:$0x12];
	[sflag:s12] =	ssyncadd.s32 $0xFFFFC000  }
0x6e: {  	[hbm4b:s0+s2] =	stream.linear.scatter [tilespmem:s15], [sflag:$0x2], $0x4000, $0x38;
	[tilespmem:$0x8000] =	vst v63  }
0x6f: {  	_ =	swait.ge [sflag:s12], $0x4000  }
0x70: {  	[sflag:s12] =	ssyncset.done $0x0  }
0x71: {  	s0 =	rddreg [dreg:$0x13];
	[sflag:s12] =	ssyncadd.s32 $0xFFFFC000  }
0x72: {  	[tilespmem:s2], [sflag:$0x1] =	stream.linear.gather [hbm4b:s0+s2], $0x4000, $0x38;
	[tilespmem:$0x8000] =	vst v63  }
0x73: {  	_ =	swait.ge [sflag:s14], $0x4000  }
0x74: {  	[sflag:s14] =	ssyncset.done $0x0  }
0x75: {  	s0 =	rddreg [dreg:$0x14];
	[sflag:s14] =	ssyncadd.s32 $0xFFFFC000  }
0x76: {  	[hbm4b:s0+s2] =	stream.linear.scatter [tilespmem:s2], [sflag:$0x1], $0x4000, $0x38;
	[tilespmem:$0x8000] =	vst v63  }
0x77: {  	_ =	swait.ge [sflag:s14], $0x4000  }
0x78: {  	[sflag:s14] =	ssyncset.done $0x0  }
0x79: {  	s0 =	rddreg [dreg:$0x15];
	[sflag:s14] =	ssyncadd.s32 $0xFFFFC000  }
0x7a: {  	[tilespmem:s15], [sflag:$0x2] =	stream.linear.gather [hbm4b:s0+s2], $0x4000, $0x38;
	[tilespmem:$0x8000] =	vst v63  }
0x7b: {  	_ =	swait.ge [sflag:s12], $0x4000  }
0x7c: {  	[sflag:s12] =	ssyncset.done $0x0  }
0x7d: {  	s0 =	rddreg [dreg:$0x16];
	[sflag:s12] =	ssyncadd.s32 $0xFFFFC000  }
0x7e: {  	[hbm4b:s0+s2] =	stream.linear.scatter [tilespmem:s15], [sflag:$0x2], $0x4000, $0x38;
	[tilespmem:$0x8000] =	vst v63  }
0x7f: {  	_ =	swait.ge [sflag:s12], $0x4000  }
0x80: {  	[sflag:s12] =	ssyncset.done $0x0  }
0x81: {  	s0 =	rddreg [dreg:$0x17];
	[sflag:s12] =	ssyncadd.s32 $0xFFFFC000  }
0x82: {  	[tilespmem:s2], [sflag:$0x1] =	stream.linear.gather [hbm4b:s0+s2], $0x4000, $0x38;
	[tilespmem:$0x8000] =	vst v63  }
0x83: {  	_ =	swait.ge [sflag:s14], $0x4000  }
0x84: {  	[sflag:s14] =	ssyncset.done $0x0  }
0x85: {  	s0 =	rddreg [dreg:$0x18];
	[sflag:s14] =	ssyncadd.s32 $0xFFFFC000  }
0x86: {  	[hbm4b:s0+s2] =	stream.linear.scatter [tilespmem:s2], [sflag:$0x1], $0x4000, $0x38;
	[tilespmem:$0x8000] =	vst v63  }
0x87: {  	_ =	swait.ge [sflag:s14], $0x4000  }
0x88: {  	[sflag:s14] =	ssyncset.done $0x0  }
0x89: {  	s0 =	rddreg [dreg:$0x19];
	[sflag:s14] =	ssyncadd.s32 $0xFFFFC000  }
0x8a: {  	[tilespmem:s15], [sflag:$0x2] =	stream.linear.gather [hbm4b:s0+s2], $0x4000, $0x38;
	[tilespmem:$0x8000] =	vst v63  }
0x8b: {  	_ =	swait.ge [sflag:s12], $0x4000  }
0x8c: {  	[sflag:s12] =	ssyncset.done $0x0  }
0x8d: {  	s0 =	rddreg [dreg:$0x1a];
	[sflag:s12] =	ssyncadd.s32 $0xFFFFC000  }
0x8e: {  	[hbm4b:s0+s2] =	stream.linear.scatter [tilespmem:s15], [sflag:$0x2], $0x4000, $0x38;
	[tilespmem:$0x8000] =	vst v63  }
0x8f: {  	_ =	swait.ge [sflag:s12], $0x4000  }
0x90: {  	[sflag:s12] =	ssyncset.done $0x0  }
0x91: {  	s0 =	rddreg [dreg:$0x1b];
	[sflag:s12] =	ssyncadd.s32 $0xFFFFC000  }
0x92: {  	[tilespmem:s2], [sflag:$0x1] =	stream.linear.gather [hbm4b:s0+s2], $0x4000, $0x38;
	[tilespmem:$0x8000] =	vst v63  }
0x93: {  	_ =	swait.ge [sflag:s14], $0x4000  }
0x94: {  	[sflag:s14] =	ssyncset.done $0x0  }
0x95: {  	s0 =	rddreg [dreg:$0x1c];
	[sflag:s14] =	ssyncadd.s32 $0xFFFFC000  }
0x96: {  	[hbm4b:s0+s2] =	stream.linear.scatter [tilespmem:s2], [sflag:$0x1], $0x4000, $0x38;
	[tilespmem:$0x8000] =	vst v63  }
0x97: {  	_ =	swait.ge [sflag:s14], $0x4000  }
0x98: {  	[sflag:s14] =	ssyncset.done $0x0  }
0x99: {  	s0 =	rddreg [dreg:$0x1d];
	[sflag:s14] =	ssyncadd.s32 $0xFFFFC000  }
0x9a: {  	[tilespmem:s15], [sflag:$0x2] =	stream.linear.gather [hbm4b:s0+s2], $0x4000, $0x38;
	[tilespmem:$0x8000] =	vst v63  }
0x9b: {  	_ =	swait.ge [sflag:s12], $0x4000  }
0x9c: {  	[sflag:s12] =	ssyncset.done $0x0  }
0x9d: {  	s0 =	rddreg [dreg:$0x1e];
	[sflag:s12] =	ssyncadd.s32 $0xFFFFC000  }
0x9e: {  	[hbm4b:s0+s2] =	stream.linear.scatter [tilespmem:s15], [sflag:$0x2], $0x4000, $0x38;
	[tilespmem:$0x8000] =	vst v63  }
0x9f: {  	_ =	swait.ge [sflag:s12], $0x4000  }
0xa0: {  	[sflag:s12] =	ssyncset.done $0x0  }
0xa1: {  	s0 =	rddreg [dreg:$0x1f];
	[sflag:s12] =	ssyncadd.s32 $0xFFFFC000  }
0xa2: {  	[tilespmem:s2], [sflag:$0x1] =	stream.linear.gather [hbm4b:s0+s2], $0x4000, $0x38;
	[tilespmem:$0x8000] =	vst v63  }
0xa3: {  	_ =	swait.ge [sflag:s14], $0x4000  }
0xa4: {  	s0 =	sld [smem:$0x7FC]  }
0xa5: {  	[sflag:s14] =	ssyncset.done $0x0  }
0xa6: {  	[sflag:s14] =	ssyncadd.s32 $0xFFFFC000  }
0xa7: {  	[hbm4b:s0+s2] =	stream.linear.scatter [tilespmem:s2], [sflag:$0x1], $0x4000, $0x38;
	[tilespmem:$0x8000] =	vst v63  }
0xa8: {  	_ =	swait.ge [sflag:s14], $0x4000  }
0xa9: {  	s0 =	sld [smem:$0x7FD]  }
0xaa: {  	[sflag:s14] =	ssyncset.done $0x0  }
0xab: {  	[sflag:s14] =	ssyncadd.s32 $0xFFFFC000  }
0xac: {  	[tilespmem:s15], [sflag:$0x2] =	stream.linear.gather [hbm4b:s0+s2], $0x4000, $0x38;
	[tilespmem:$0x8000] =	vst v63  }
0xad: {  	_ =	swait.ge [sflag:s12], $0x4000  }
0xae: {  	[sflag:s12] =	ssyncset.done $0x0  }
0xaf: {  	[sflag:s12] =	ssyncadd.s32 $0xFFFFC000  }
0xb0: {  	[hbm4b:s26+s2] =	stream.linear.scatter [tilespmem:s15], [sflag:$0x2], $0x4000, $0x38;
	[tilespmem:$0x8000] =	vst v63  }
0xb1: {  	_ =	swait.ge [sflag:s12], $0x4000  }
0xb2: {  	[sflag:s12] =	ssyncset.done $0x0  }
0xb3: {  	[sflag:s12] =	ssyncadd.s32 $0xFFFFC000  }
0xb4: {  	[tilespmem:s2], [sflag:$0x1] =	stream.linear.gather [hbm4b:s25+s2], $0x4000, $0x38;
	[tilespmem:$0x8000] =	vst v63  }
0xb5: {  	_ =	swait.ge [sflag:s14], $0x4000  }
0xb6: {  	[sflag:s14] =	ssyncset.done $0x0  }
0xb7: {  	[sflag:s14] =	ssyncadd.s32 $0xFFFFC000  }
0xb8: {  	[hbm4b:s24+s2] =	stream.linear.scatter [tilespmem:s2], [sflag:$0x1], $0x4000, $0x38;
	[tilespmem:$0x8000] =	vst v63  }
0xb9: {  	_ =	swait.ge [sflag:s14], $0x4000  }
0xba: {  	[sflag:s14] =	ssyncset.done $0x0  }
0xbb: {  	[sflag:s14] =	ssyncadd.s32 $0xFFFFC000  }
0xbc: {  	[tilespmem:s15], [sflag:$0x2] =	stream.linear.gather [hbm4b:s23+s2], $0x4000, $0x38;
	[tilespmem:$0x8000] =	vst v63  }
0xbd: {  	_ =	swait.ge [sflag:s12], $0x4000  }
0xbe: {  	[sflag:s12] =	ssyncset.done $0x0  }
0xbf: {  	[sflag:s12] =	ssyncadd.s32 $0xFFFFC000  }
0xc0: {  	[hbm4b:s22+s2] =	stream.linear.scatter [tilespmem:s15], [sflag:$0x2], $0x4000, $0x38;
	[tilespmem:$0x8000] =	vst v63  }
0xc1: {  	_ =	swait.ge [sflag:s12], $0x4000  }
0xc2: {  	[sflag:s12] =	ssyncset.done $0x0  }
0xc3: {  	[sflag:s12] =	ssyncadd.s32 $0xFFFFC000  }
0xc4: {  	[tilespmem:s2], [sflag:$0x1] =	stream.linear.gather [hbm4b:s21+s2], $0x4000, $0x38;
	[tilespmem:$0x8000] =	vst v63  }
0xc5: {  	_ =	swait.ge [sflag:s14], $0x4000  }
0xc6: {  	[sflag:s14] =	ssyncset.done $0x0  }
0xc7: {  	[sflag:s14] =	ssyncadd.s32 $0xFFFFC000  }
0xc8: {  	[hbm4b:s20+s2] =	stream.linear.scatter [tilespmem:s2], [sflag:$0x1], $0x4000, $0x38;
	[tilespmem:$0x8000] =	vst v63  }
0xc9: {  	_ =	swait.ge [sflag:s14], $0x4000  }
0xca: {  	[sflag:s14] =	ssyncset.done $0x0  }
0xcb: {  	[sflag:s14] =	ssyncadd.s32 $0xFFFFC000  }
0xcc: {  	[tilespmem:s15], [sflag:$0x2] =	stream.linear.gather [hbm4b:s19+s2], $0x4000, $0x38;
	[tilespmem:$0x8000] =	vst v63  }
0xcd: {  	_ =	swait.ge [sflag:s12], $0x4000  }
0xce: {  	[sflag:s12] =	ssyncset.done $0x0  }
0xcf: {  	[sflag:s12] =	ssyncadd.s32 $0xFFFFC000  }
0xd0: {  	[hbm4b:s18+s2] =	stream.linear.scatter [tilespmem:s15], [sflag:$0x2], $0x4000, $0x38;
	[tilespmem:$0x8000] =	vst v63  }
0xd1: {  	_ =	swait.ge [sflag:s12], $0x4000  }
0xd2: {  	[sflag:s12] =	ssyncset.done $0x0  }
0xd3: {  	[sflag:s12] =	ssyncadd.s32 $0xFFFFC000  }
0xd4: {  	[tilespmem:s2], [sflag:$0x1] =	stream.linear.gather [hbm4b:s17+s2], $0x4000, $0x38;
	[tilespmem:$0x8000] =	vst v63  }
0xd5: {  	_ =	swait.ge [sflag:s14], $0x4000  }
0xd6: {  	[sflag:s14] =	ssyncset.done $0x0  }
0xd7: {  	[sflag:s14] =	ssyncadd.s32 $0xFFFFC000  }
0xd8: {  	[hbm4b:s16+s2] =	stream.linear.scatter [tilespmem:s2], [sflag:$0x1], $0x4000, $0x38;
	[tilespmem:$0x8000] =	vst v63  }
0xd9: {  	_ =	swait.ge [sflag:s14], $0x4000  }
0xda: {  	[sflag:s14] =	ssyncset.done $0x0  }
0xdb: {  	[sflag:s14] =	ssyncadd.s32 $0xFFFFC000  }
0xdc: {  	[tilespmem:s15], [sflag:$0x2] =	stream.linear.gather [hbm4b:s13+s2], $0x4000, $0x38;
	[tilespmem:$0x8000] =	vst v63  }
0xdd: {  	_ =	swait.ge [sflag:s12], $0x4000  }
0xde: {  	[sflag:s12] =	ssyncset.done $0x0  }
0xdf: {  	[sflag:s12] =	ssyncadd.s32 $0xFFFFC000  }
0xe0: {  	[hbm4b:s11+s2] =	stream.linear.scatter [tilespmem:s15], [sflag:$0x2], $0x4000, $0x38;
	[tilespmem:$0x8000] =	vst v63  }
0xe1: {  	_ =	swait.ge [sflag:s12], $0x4000  }
0xe2: {  	[sflag:s12] =	ssyncset.done $0x0  }
0xe3: {  	[sflag:s12] =	ssyncadd.s32 $0xFFFFC000  }
0xe4: {  	[tilespmem:s2], [sflag:$0x1] =	stream.linear.gather [hbm4b:s10+s2], $0x4000, $0x38;
	[tilespmem:$0x8000] =	vst v63  }
0xe5: {  	_ =	swait.ge [sflag:s14], $0x4000  }
0xe6: {  	[sflag:s14] =	ssyncset.done $0x0  }
0xe7: {  	[sflag:s14] =	ssyncadd.s32 $0xFFFFC000  }
0xe8: {  	[hbm4b:s9+s2] =	stream.linear.scatter [tilespmem:s2], [sflag:$0x1], $0x4000, $0x38;
	[tilespmem:$0x8000] =	vst v63  }
0xe9: {  	_ =	swait.ge [sflag:s14], $0x4000  }
0xea: {  	[sflag:s14] =	ssyncset.done $0x0  }
0xeb: {  	[sflag:s14] =	ssyncadd.s32 $0xFFFFC000  }
0xec: {  	[tilespmem:s15], [sflag:$0x2] =	stream.linear.gather [hbm4b:s8+s2], $0x4000, $0x38;
	[tilespmem:$0x8000] =	vst v63  }
0xed: {  	_ =	swait.ge [sflag:s12], $0x4000  }
0xee: {  	[sflag:s12] =	ssyncset.done $0x0  }
0xef: {  	[sflag:s12] =	ssyncadd.s32 $0xFFFFC000  }
0xf0: {  	[hbm4b:s7+s2] =	stream.linear.scatter [tilespmem:s15], [sflag:$0x2], $0x4000, $0x38;
	[tilespmem:$0x8000] =	vst v63  }
0xf1: {  	_ =	swait.ge [sflag:s12], $0x4000  }
0xf2: {  	[sflag:s12] =	ssyncset.done $0x0  }
0xf3: {  	s28 =	simm.s32 @!p1 $0x0;
	s29 =	simm.s32 @!p1 $0x1;
	[sflag:s12] =	ssyncadd.s32 $0xFFFFC000  }
0xf4: {  	[tilespmem:s28], [sflag:$0x1] =	stream.linear.gather @!p1 [hbm4b:s6+s28], $0x1000, $0x38;
	[tilespmem:$0x8000] =	vst v63  }
0xf5: {  	_ =	swait.ge @!p1 [sflag:s29], $0x1000  }
0xf6: {  	[sflag:s29] =	ssyncset.done @!p1 $0x0  }
0xf7: {  	[sflag:s29] =	ssyncadd.s32 @!p1 $0xFFFFF000  }
0xf8: {  	[hbm4b:s5+s28] =	stream.linear.scatter @!p1 [tilespmem:s28], [sflag:$0x1], $0x1000, $0x38;
	[tilespmem:$0x8000] =	vst v63  }
0xf9: {  	_ =	swait.ge @!p1 [sflag:s29], $0x1000  }
0xfa: {  	s31 =	simm.s32 @!p0 $0x0;
	[sflag:s29] =	ssyncset.done @!p1 $0x0  }
0xfb: {  	s30 =	simm.s32 @!p0 $0x1;
	s1 =	sadd.s32 $0xFFFFFFFF, s1;
	[sflag:s29] =	ssyncadd.s32 @!p1 $0xFFFFF000  }
0xfc: {  	[tilespmem:s31], [sflag:$0x1] =	stream.linear.gather @!p0 [hbm4b:s4+s31], $0x4000, $0x38;
	[tilespmem:$0x8000] =	vst v63  }
0xfd: {  	p3 =	sne.s32 s1, $0x0;
	_ =	swait.ge @!p0 [sflag:s30], $0x4000  }
.Ltmp1:
0xfe: {  	[sflag:s30] =	ssyncset.done @!p0 $0x0;
	(pc) =	sbr.rel @!p3 .LBB2_3-.Ltmp1, $4  }
0xff: {  	[sflag:s30] =	ssyncadd.s32 @!p0 $0xFFFFC000  }
0x100: {  	[hbm4b:s3+s31] =	stream.linear.scatter @!p0 [tilespmem:s31], [sflag:$0x1], $0x4000, $0x38;
	[tilespmem:$0x8000] =	vst v63  }
0x101: {  	_ =	swait.ge @!p0 [sflag:s30], $0x4000  }
0x102: {  	p2 =	por $0x1, $0x1;
	s0 =	rddreg [dreg:$0x3];
	[sflag:s30] =	ssyncset.done @!p0 $0x0  }
.LBB2_4:
0x103: {  	[sflag:s30] =	ssyncadd.s32 @!p0 $0xFFFFC000  }
0x104: {  	[tilespmem:s2], [sflag:$0x1] =	stream.linear.gather [hbm4b:s0+s2], $0x4000, $0x38;
	[tilespmem:$0x8000] =	vst v63  }
0x105: {  	_ =	swait.ge [sflag:s14], $0x4000  }
0x106: {  	[sflag:s14] =	ssyncset.done $0x0  }
0x107: {  	s0 =	rddreg [dreg:$0x4];
	[sflag:s14] =	ssyncadd.s32 $0xFFFFC000  }
0x108: {  	[hbm4b:s0+s2] =	stream.linear.scatter [tilespmem:s2], [sflag:$0x1], $0x4000, $0x38;
	[tilespmem:$0x8000] =	vst v63  }
0x109: {  	_ =	swait.ge [sflag:s14], $0x4000  }
0x10a: {  	[sflag:s14] =	ssyncset.done $0x0  }
0x10b: {  	s0 =	rddreg [dreg:$0x5];
	[sflag:s14] =	ssyncadd.s32 $0xFFFFC000  }
0x10c: {  	[tilespmem:s15], [sflag:$0x2] =	stream.linear.gather [hbm4b:s0+s2], $0x4000, $0x38;
	[tilespmem:$0x8000] =	vst v63  }
0x10d: {  	_ =	swait.ge [sflag:s12], $0x4000  }
0x10e: {  	[sflag:s12] =	ssyncset.done $0x0  }
0x10f: {  	s0 =	rddreg [dreg:$0x6];
	[sflag:s12] =	ssyncadd.s32 $0xFFFFC000  }
0x110: {  	[hbm4b:s0+s2] =	stream.linear.scatter [tilespmem:s15], [sflag:$0x2], $0x4000, $0x38;
	[tilespmem:$0x8000] =	vst v63  }
0x111: {  	_ =	swait.ge [sflag:s12], $0x4000  }
0x112: {  	[sflag:s12] =	ssyncset.done $0x0  }
0x113: {  	s0 =	rddreg [dreg:$0x7];
	[sflag:s12] =	ssyncadd.s32 $0xFFFFC000  }
0x114: {  	[tilespmem:s2], [sflag:$0x1] =	stream.linear.gather [hbm4b:s0+s2], $0x4000, $0x38;
	[tilespmem:$0x8000] =	vst v63  }
0x115: {  	_ =	swait.ge [sflag:s14], $0x4000  }
0x116: {  	[sflag:s14] =	ssyncset.done $0x0  }
0x117: {  	s0 =	rddreg [dreg:$0x8];
	[sflag:s14] =	ssyncadd.s32 $0xFFFFC000  }
0x118: {  	[hbm4b:s0+s2] =	stream.linear.scatter [tilespmem:s2], [sflag:$0x1], $0x4000, $0x38;
	[tilespmem:$0x8000] =	vst v63  }
0x119: {  	_ =	swait.ge [sflag:s14], $0x4000  }
0x11a: {  	[sflag:s14] =	ssyncset.done $0x0  }
0x11b: {  	s0 =	rddreg [dreg:$0x9];
	[sflag:s14] =	ssyncadd.s32 $0xFFFFC000  }
0x11c: {  	[tilespmem:s15], [sflag:$0x2] =	stream.linear.gather [hbm4b:s0+s2], $0x4000, $0x38;
	[tilespmem:$0x8000] =	vst v63  }
0x11d: {  	_ =	swait.ge [sflag:s12], $0x4000  }
0x11e: {  	[sflag:s12] =	ssyncset.done $0x0  }
0x11f: {  	s0 =	rddreg [dreg:$0xa];
	[sflag:s12] =	ssyncadd.s32 $0xFFFFC000  }
0x120: {  	[hbm4b:s0+s2] =	stream.linear.scatter [tilespmem:s15], [sflag:$0x2], $0x4000, $0x38;
	[tilespmem:$0x8000] =	vst v63  }
0x121: {  	_ =	swait.ge [sflag:s12], $0x4000  }
0x122: {  	[sflag:s12] =	ssyncset.done $0x0  }
0x123: {  	s0 =	rddreg [dreg:$0xb];
	[sflag:s12] =	ssyncadd.s32 $0xFFFFC000  }
0x124: {  	[tilespmem:s2], [sflag:$0x1] =	stream.linear.gather [hbm4b:s0+s2], $0x4000, $0x38;
	[tilespmem:$0x8000] =	vst v63  }
0x125: {  	_ =	swait.ge [sflag:s14], $0x4000  }
0x126: {  	[sflag:s14] =	ssyncset.done $0x0  }
0x127: {  	s0 =	rddreg [dreg:$0xc];
	[sflag:s14] =	ssyncadd.s32 $0xFFFFC000  }
0x128: {  	[hbm4b:s0+s2] =	stream.linear.scatter [tilespmem:s2], [sflag:$0x1], $0x4000, $0x38;
	[tilespmem:$0x8000] =	vst v63  }
0x129: {  	_ =	swait.ge [sflag:s14], $0x4000  }
0x12a: {  	[sflag:s14] =	ssyncset.done $0x0  }
0x12b: {  	s0 =	rddreg [dreg:$0xd];
	[sflag:s14] =	ssyncadd.s32 $0xFFFFC000  }
0x12c: {  	[tilespmem:s15], [sflag:$0x2] =	stream.linear.gather [hbm4b:s0+s2], $0x4000, $0x38;
	[tilespmem:$0x8000] =	vst v63  }
0x12d: {  	_ =	swait.ge [sflag:s12], $0x4000  }
0x12e: {  	[sflag:s12] =	ssyncset.done $0x0  }
0x12f: {  	s0 =	rddreg [dreg:$0xe];
	[sflag:s12] =	ssyncadd.s32 $0xFFFFC000  }
0x130: {  	[hbm4b:s0+s2] =	stream.linear.scatter [tilespmem:s15], [sflag:$0x2], $0x4000, $0x38;
	[tilespmem:$0x8000] =	vst v63  }
0x131: {  	_ =	swait.ge [sflag:s12], $0x4000  }
0x132: {  	[sflag:s12] =	ssyncset.done $0x0  }
0x133: {  	s0 =	rddreg [dreg:$0xf];
	[sflag:s12] =	ssyncadd.s32 $0xFFFFC000  }
0x134: {  	[tilespmem:s2], [sflag:$0x1] =	stream.linear.gather [hbm4b:s0+s2], $0x4000, $0x38;
	[tilespmem:$0x8000] =	vst v63  }
0x135: {  	_ =	swait.ge [sflag:s14], $0x4000  }
0x136: {  	[sflag:s14] =	ssyncset.done $0x0  }
0x137: {  	s0 =	rddreg [dreg:$0x10];
	[sflag:s14] =	ssyncadd.s32 $0xFFFFC000  }
0x138: {  	[hbm4b:s0+s2] =	stream.linear.scatter [tilespmem:s2], [sflag:$0x1], $0x4000, $0x38;
	[tilespmem:$0x8000] =	vst v63  }
0x139: {  	_ =	swait.ge [sflag:s14], $0x4000  }
0x13a: {  	[sflag:s14] =	ssyncset.done $0x0  }
0x13b: {  	s0 =	rddreg [dreg:$0x11];
	[sflag:s14] =	ssyncadd.s32 $0xFFFFC000  }
0x13c: {  	[tilespmem:s15], [sflag:$0x2] =	stream.linear.gather [hbm4b:s0+s2], $0x4000, $0x38;
	[tilespmem:$0x8000] =	vst v63  }
0x13d: {  	_ =	swait.ge [sflag:s12], $0x4000  }
0x13e: {  	[sflag:s12] =	ssyncset.done $0x0  }
0x13f: {  	s0 =	rddreg [dreg:$0x12];
	[sflag:s12] =	ssyncadd.s32 $0xFFFFC000  }
0x140: {  	[hbm4b:s0+s2] =	stream.linear.scatter [tilespmem:s15], [sflag:$0x2], $0x4000, $0x38;
	[tilespmem:$0x8000] =	vst v63  }
0x141: {  	_ =	swait.ge [sflag:s12], $0x4000  }
0x142: {  	[sflag:s12] =	ssyncset.done $0x0  }
0x143: {  	s0 =	rddreg [dreg:$0x13];
	[sflag:s12] =	ssyncadd.s32 $0xFFFFC000  }
0x144: {  	[tilespmem:s2], [sflag:$0x1] =	stream.linear.gather [hbm4b:s0+s2], $0x4000, $0x38;
	[tilespmem:$0x8000] =	vst v63  }
0x145: {  	_ =	swait.ge [sflag:s14], $0x4000  }
0x146: {  	[sflag:s14] =	ssyncset.done $0x0  }
0x147: {  	s0 =	rddreg [dreg:$0x14];
	[sflag:s14] =	ssyncadd.s32 $0xFFFFC000  }
0x148: {  	[hbm4b:s0+s2] =	stream.linear.scatter [tilespmem:s2], [sflag:$0x1], $0x4000, $0x38;
	[tilespmem:$0x8000] =	vst v63  }
0x149: {  	_ =	swait.ge [sflag:s14], $0x4000  }
0x14a: {  	[sflag:s14] =	ssyncset.done $0x0  }
0x14b: {  	s0 =	rddreg [dreg:$0x15];
	[sflag:s14] =	ssyncadd.s32 $0xFFFFC000  }
0x14c: {  	[tilespmem:s15], [sflag:$0x2] =	stream.linear.gather [hbm4b:s0+s2], $0x4000, $0x38;
	[tilespmem:$0x8000] =	vst v63  }
0x14d: {  	_ =	swait.ge [sflag:s12], $0x4000  }
0x14e: {  	[sflag:s12] =	ssyncset.done $0x0  }
0x14f: {  	s0 =	rddreg [dreg:$0x16];
	[sflag:s12] =	ssyncadd.s32 $0xFFFFC000  }
0x150: {  	[hbm4b:s0+s2] =	stream.linear.scatter [tilespmem:s15], [sflag:$0x2], $0x4000, $0x38;
	[tilespmem:$0x8000] =	vst v63  }
0x151: {  	_ =	swait.ge [sflag:s12], $0x4000  }
0x152: {  	[sflag:s12] =	ssyncset.done $0x0  }
0x153: {  	s0 =	rddreg [dreg:$0x17];
	[sflag:s12] =	ssyncadd.s32 $0xFFFFC000  }
0x154: {  	[tilespmem:s2], [sflag:$0x1] =	stream.linear.gather [hbm4b:s0+s2], $0x4000, $0x38;
	[tilespmem:$0x8000] =	vst v63  }
0x155: {  	_ =	swait.ge [sflag:s14], $0x4000  }
0x156: {  	[sflag:s14] =	ssyncset.done $0x0  }
0x157: {  	s0 =	rddreg [dreg:$0x18];
	[sflag:s14] =	ssyncadd.s32 $0xFFFFC000  }
0x158: {  	[hbm4b:s0+s2] =	stream.linear.scatter [tilespmem:s2], [sflag:$0x1], $0x4000, $0x38;
	[tilespmem:$0x8000] =	vst v63  }
0x159: {  	_ =	swait.ge [sflag:s14], $0x4000  }
0x15a: {  	[sflag:s14] =	ssyncset.done $0x0  }
0x15b: {  	s0 =	rddreg [dreg:$0x19];
	[sflag:s14] =	ssyncadd.s32 $0xFFFFC000  }
0x15c: {  	[tilespmem:s15], [sflag:$0x2] =	stream.linear.gather [hbm4b:s0+s2], $0x4000, $0x38;
	[tilespmem:$0x8000] =	vst v63  }
0x15d: {  	_ =	swait.ge [sflag:s12], $0x4000  }
0x15e: {  	[sflag:s12] =	ssyncset.done $0x0  }
0x15f: {  	s0 =	rddreg [dreg:$0x1a];
	[sflag:s12] =	ssyncadd.s32 $0xFFFFC000  }
0x160: {  	[hbm4b:s0+s2] =	stream.linear.scatter [tilespmem:s15], [sflag:$0x2], $0x4000, $0x38;
	[tilespmem:$0x8000] =	vst v63  }
0x161: {  	_ =	swait.ge [sflag:s12], $0x4000  }
0x162: {  	[sflag:s12] =	ssyncset.done $0x0  }
0x163: {  	s0 =	rddreg [dreg:$0x1b];
	[sflag:s12] =	ssyncadd.s32 $0xFFFFC000  }
0x164: {  	[tilespmem:s2], [sflag:$0x1] =	stream.linear.gather [hbm4b:s0+s2], $0x4000, $0x38;
	[tilespmem:$0x8000] =	vst v63  }
0x165: {  	_ =	swait.ge [sflag:s14], $0x4000  }
0x166: {  	[sflag:s14] =	ssyncset.done $0x0  }
0x167: {  	s0 =	rddreg [dreg:$0x1c];
	[sflag:s14] =	ssyncadd.s32 $0xFFFFC000  }
0x168: {  	[hbm4b:s0+s2] =	stream.linear.scatter [tilespmem:s2], [sflag:$0x1], $0x4000, $0x38;
	[tilespmem:$0x8000] =	vst v63  }
0x169: {  	_ =	swait.ge [sflag:s14], $0x4000  }
0x16a: {  	[sflag:s14] =	ssyncset.done $0x0  }
0x16b: {  	s0 =	rddreg [dreg:$0x1d];
	[sflag:s14] =	ssyncadd.s32 $0xFFFFC000  }
0x16c: {  	[tilespmem:s15], [sflag:$0x2] =	stream.linear.gather [hbm4b:s0+s2], $0x4000, $0x38;
	[tilespmem:$0x8000] =	vst v63  }
0x16d: {  	_ =	swait.ge [sflag:s12], $0x4000  }
0x16e: {  	[sflag:s12] =	ssyncset.done $0x0  }
0x16f: {  	s0 =	rddreg [dreg:$0x1e];
	[sflag:s12] =	ssyncadd.s32 $0xFFFFC000  }
0x170: {  	[hbm4b:s0+s2] =	stream.linear.scatter [tilespmem:s15], [sflag:$0x2], $0x4000, $0x38;
	[tilespmem:$0x8000] =	vst v63  }
0x171: {  	_ =	swait.ge [sflag:s12], $0x4000  }
0x172: {  	[sflag:s12] =	ssyncset.done $0x0  }
0x173: {  	s0 =	rddreg [dreg:$0x1f];
	[sflag:s12] =	ssyncadd.s32 $0xFFFFC000  }
0x174: {  	[tilespmem:s2], [sflag:$0x1] =	stream.linear.gather [hbm4b:s0+s2], $0x4000, $0x38;
	[tilespmem:$0x8000] =	vst v63  }
0x175: {  	_ =	swait.ge [sflag:s14], $0x4000  }
0x176: {  	s0 =	sld [smem:$0x7FC]  }
0x177: {  	[sflag:s14] =	ssyncset.done $0x0  }
0x178: {  	[sflag:s14] =	ssyncadd.s32 $0xFFFFC000  }
0x179: {  	[hbm4b:s0+s2] =	stream.linear.scatter [tilespmem:s2], [sflag:$0x1], $0x4000, $0x38;
	[tilespmem:$0x8000] =	vst v63  }
0x17a: {  	_ =	swait.ge [sflag:s14], $0x4000  }
0x17b: {  	s0 =	sld [smem:$0x7FD]  }
0x17c: {  	[sflag:s14] =	ssyncset.done $0x0  }
0x17d: {  	[sflag:s14] =	ssyncadd.s32 $0xFFFFC000  }
0x17e: {  	[tilespmem:s15], [sflag:$0x2] =	stream.linear.gather [hbm4b:s0+s2], $0x4000, $0x38;
	[tilespmem:$0x8000] =	vst v63  }
0x17f: {  	_ =	swait.ge [sflag:s12], $0x4000  }
0x180: {  	[sflag:s12] =	ssyncset.done $0x0  }
0x181: {  	[sflag:s12] =	ssyncadd.s32 $0xFFFFC000  }
0x182: {  	[hbm4b:s26+s2] =	stream.linear.scatter [tilespmem:s15], [sflag:$0x2], $0x4000, $0x38;
	[tilespmem:$0x8000] =	vst v63  }
0x183: {  	_ =	swait.ge [sflag:s12], $0x4000  }
0x184: {  	[sflag:s12] =	ssyncset.done $0x0  }
0x185: {  	[sflag:s12] =	ssyncadd.s32 $0xFFFFC000  }
0x186: {  	[tilespmem:s2], [sflag:$0x1] =	stream.linear.gather [hbm4b:s25+s2], $0x4000, $0x38;
	[tilespmem:$0x8000] =	vst v63  }
0x187: {  	_ =	swait.ge [sflag:s14], $0x4000  }
0x188: {  	[sflag:s14] =	ssyncset.done $0x0  }
0x189: {  	[sflag:s14] =	ssyncadd.s32 $0xFFFFC000  }
0x18a: {  	[hbm4b:s24+s2] =	stream.linear.scatter [tilespmem:s2], [sflag:$0x1], $0x4000, $0x38;
	[tilespmem:$0x8000] =	vst v63  }
0x18b: {  	_ =	swait.ge [sflag:s14], $0x4000  }
0x18c: {  	[sflag:s14] =	ssyncset.done $0x0  }
0x18d: {  	[sflag:s14] =	ssyncadd.s32 $0xFFFFC000  }
0x18e: {  	[tilespmem:s15], [sflag:$0x2] =	stream.linear.gather [hbm4b:s23+s2], $0x4000, $0x38;
	[tilespmem:$0x8000] =	vst v63  }
0x18f: {  	_ =	swait.ge [sflag:s12], $0x4000  }
0x190: {  	[sflag:s12] =	ssyncset.done $0x0  }
0x191: {  	[sflag:s12] =	ssyncadd.s32 $0xFFFFC000  }
0x192: {  	[hbm4b:s22+s2] =	stream.linear.scatter [tilespmem:s15], [sflag:$0x2], $0x4000, $0x38;
	[tilespmem:$0x8000] =	vst v63  }
0x193: {  	_ =	swait.ge [sflag:s12], $0x4000  }
0x194: {  	[sflag:s12] =	ssyncset.done $0x0  }
0x195: {  	[sflag:s12] =	ssyncadd.s32 $0xFFFFC000  }
0x196: {  	[tilespmem:s2], [sflag:$0x1] =	stream.linear.gather [hbm4b:s21+s2], $0x4000, $0x38;
	[tilespmem:$0x8000] =	vst v63  }
0x197: {  	_ =	swait.ge [sflag:s14], $0x4000  }
0x198: {  	[sflag:s14] =	ssyncset.done $0x0  }
0x199: {  	[sflag:s14] =	ssyncadd.s32 $0xFFFFC000  }
0x19a: {  	[hbm4b:s20+s2] =	stream.linear.scatter [tilespmem:s2], [sflag:$0x1], $0x4000, $0x38;
	[tilespmem:$0x8000] =	vst v63  }
0x19b: {  	_ =	swait.ge [sflag:s14], $0x4000  }
0x19c: {  	[sflag:s14] =	ssyncset.done $0x0  }
0x19d: {  	[sflag:s14] =	ssyncadd.s32 $0xFFFFC000  }
0x19e: {  	[tilespmem:s15], [sflag:$0x2] =	stream.linear.gather [hbm4b:s19+s2], $0x4000, $0x38;
	[tilespmem:$0x8000] =	vst v63  }
0x19f: {  	_ =	swait.ge [sflag:s12], $0x4000  }
0x1a0: {  	[sflag:s12] =	ssyncset.done $0x0  }
0x1a1: {  	[sflag:s12] =	ssyncadd.s32 $0xFFFFC000  }
0x1a2: {  	[hbm4b:s18+s2] =	stream.linear.scatter [tilespmem:s15], [sflag:$0x2], $0x4000, $0x38;
	[tilespmem:$0x8000] =	vst v63  }
0x1a3: {  	_ =	swait.ge [sflag:s12], $0x4000  }
0x1a4: {  	[sflag:s12] =	ssyncset.done $0x0  }
0x1a5: {  	[sflag:s12] =	ssyncadd.s32 $0xFFFFC000  }
0x1a6: {  	[tilespmem:s2], [sflag:$0x1] =	stream.linear.gather [hbm4b:s17+s2], $0x4000, $0x38;
	[tilespmem:$0x8000] =	vst v63  }
0x1a7: {  	_ =	swait.ge [sflag:s14], $0x4000  }
0x1a8: {  	[sflag:s14] =	ssyncset.done $0x0  }
0x1a9: {  	[sflag:s14] =	ssyncadd.s32 $0xFFFFC000  }
0x1aa: {  	[hbm4b:s16+s2] =	stream.linear.scatter [tilespmem:s2], [sflag:$0x1], $0x4000, $0x38;
	[tilespmem:$0x8000] =	vst v63  }
0x1ab: {  	_ =	swait.ge [sflag:s14], $0x4000  }
0x1ac: {  	[sflag:s14] =	ssyncset.done $0x0  }
0x1ad: {  	[sflag:s14] =	ssyncadd.s32 $0xFFFFC000  }
0x1ae: {  	[tilespmem:s15], [sflag:$0x2] =	stream.linear.gather [hbm4b:s13+s2], $0x4000, $0x38;
	[tilespmem:$0x8000] =	vst v63  }
0x1af: {  	_ =	swait.ge [sflag:s12], $0x4000  }
0x1b0: {  	[sflag:s12] =	ssyncset.done $0x0  }
0x1b1: {  	[sflag:s12] =	ssyncadd.s32 $0xFFFFC000  }
0x1b2: {  	[hbm4b:s11+s2] =	stream.linear.scatter [tilespmem:s15], [sflag:$0x2], $0x4000, $0x38;
	[tilespmem:$0x8000] =	vst v63  }
0x1b3: {  	_ =	swait.ge [sflag:s12], $0x4000  }
0x1b4: {  	[sflag:s12] =	ssyncset.done $0x0  }
0x1b5: {  	[sflag:s12] =	ssyncadd.s32 $0xFFFFC000  }
0x1b6: {  	[tilespmem:s2], [sflag:$0x1] =	stream.linear.gather [hbm4b:s10+s2], $0x4000, $0x38;
	[tilespmem:$0x8000] =	vst v63  }
0x1b7: {  	_ =	swait.ge [sflag:s14], $0x4000  }
0x1b8: {  	[sflag:s14] =	ssyncset.done $0x0  }
0x1b9: {  	[sflag:s14] =	ssyncadd.s32 $0xFFFFC000  }
0x1ba: {  	[hbm4b:s9+s2] =	stream.linear.scatter [tilespmem:s2], [sflag:$0x1], $0x4000, $0x38;
	[tilespmem:$0x8000] =	vst v63  }
0x1bb: {  	_ =	swait.ge [sflag:s14], $0x4000  }
0x1bc: {  	[sflag:s14] =	ssyncset.done $0x0  }
0x1bd: {  	[sflag:s14] =	ssyncadd.s32 $0xFFFFC000  }
0x1be: {  	[tilespmem:s15], [sflag:$0x2] =	stream.linear.gather [hbm4b:s8+s2], $0x4000, $0x38;
	[tilespmem:$0x8000] =	vst v63  }
0x1bf: {  	_ =	swait.ge [sflag:s12], $0x4000  }
0x1c0: {  	[sflag:s12] =	ssyncset.done $0x0  }
0x1c1: {  	[sflag:s12] =	ssyncadd.s32 $0xFFFFC000  }
0x1c2: {  	[hbm4b:s7+s2] =	stream.linear.scatter [tilespmem:s15], [sflag:$0x2], $0x4000, $0x38;
	[tilespmem:$0x8000] =	vst v63  }
0x1c3: {  	_ =	swait.ge [sflag:s12], $0x4000  }
0x1c4: {  	[sflag:s12] =	ssyncset.done $0x0  }
0x1c5: {  	[sflag:s12] =	ssyncadd.s32 $0xFFFFC000  }
0x1c6: {  	[tilespmem:s28], [sflag:$0x1] =	stream.linear.gather @!p1 [hbm4b:s6+s28], $0x1000, $0x38;
	[tilespmem:$0x8000] =	vst v63  }
0x1c7: {  	_ =	swait.ge @!p1 [sflag:s29], $0x1000  }
0x1c8: {  	[sflag:s29] =	ssyncset.done @!p1 $0x0  }
0x1c9: {  	[sflag:s29] =	ssyncadd.s32 @!p1 $0xFFFFF000  }
0x1ca: {  	[hbm4b:s5+s28] =	stream.linear.scatter @!p1 [tilespmem:s28], [sflag:$0x1], $0x1000, $0x38;
	[tilespmem:$0x8000] =	vst v63  }
0x1cb: {  	_ =	swait.ge @!p1 [sflag:s29], $0x1000  }
0x1cc: {  	[sflag:s29] =	ssyncset.done @!p1 $0x0  }
0x1cd: {  	s1 =	sadd.s32 $0xFFFFFFFF, s1;
	[sflag:s29] =	ssyncadd.s32 @!p1 $0xFFFFF000  }
0x1ce: {  	[tilespmem:s31], [sflag:$0x1] =	stream.linear.gather @!p0 [hbm4b:s4+s31], $0x4000, $0x38;
	[tilespmem:$0x8000] =	vst v63  }
0x1cf: {  	p3 =	sne.s32 s1, $0x0;
	_ =	swait.ge @!p0 [sflag:s30], $0x4000  }
.Ltmp2:
0x1d0: {  	[sflag:s30] =	ssyncset.done @!p0 $0x0;
	(pc) =	sbr.rel @p3 .LBB2_4-.Ltmp2, $4  }
0x1d1: {  	[sflag:s30] =	ssyncadd.s32 @!p0 $0xFFFFC000  }
0x1d2: {  	[hbm4b:s3+s31] =	stream.linear.scatter @!p0 [tilespmem:s31], [sflag:$0x1], $0x4000, $0x38;
	[tilespmem:$0x8000] =	vst v63  }
0x1d3: {  	_ =	swait.ge @!p0 [sflag:s30], $0x4000  }
0x1d4: {  	s0 =	rddreg [dreg:$0x3];
	[sflag:s30] =	ssyncset.done @!p0 $0x0  }
0x1d5: {  	s28 =	stileid.u32;
	s29 =	rddreg [dreg:$0x2]  }
.LBB2_6:
0x1d6: {  	p2 =	por p0, !p2  }
0x1d7: {  	[sflag:s30] =	ssyncadd.s32 @!p2 $0xFFFFC000  }
0x1d8: {  	[tilespmem:s2], [sflag:$0x1] =	stream.linear.gather [hbm4b:s0+s2], $0x4000, $0x38;
	[tilespmem:$0x8000] =	vst v63  }
0x1d9: {  	_ =	swait.ge [sflag:s14], $0x4000  }
0x1da: {  	[sflag:s14] =	ssyncset.done $0x0  }
0x1db: {  	s1 =	rddreg [dreg:$0x4];
	[sflag:s14] =	ssyncadd.s32 $0xFFFFC000  }
0x1dc: {  	[hbm4b:s1+s2] =	stream.linear.scatter [tilespmem:s2], [sflag:$0x1], $0x4000, $0x38;
	[tilespmem:$0x8000] =	vst v63  }
0x1dd: {  	_ =	swait.ge [sflag:s14], $0x4000  }
0x1de: {  	[sflag:s14] =	ssyncset.done $0x0  }
0x1df: {  	s30 =	rddreg [dreg:$0x5];
	[sflag:s14] =	ssyncadd.s32 $0xFFFFC000  }
0x1e0: {  	[tilespmem:s15], [sflag:$0x2] =	stream.linear.gather [hbm4b:s30+s2], $0x4000, $0x38;
	[tilespmem:$0x8000] =	vst v63  }
0x1e1: {  	_ =	swait.ge [sflag:s12], $0x4000  }
0x1e2: {  	[sflag:s12] =	ssyncset.done $0x0  }
0x1e3: {  	s31 =	rddreg [dreg:$0x6];
	[sflag:s12] =	ssyncadd.s32 $0xFFFFC000  }
0x1e4: {  	[hbm4b:s31+s2] =	stream.linear.scatter [tilespmem:s15], [sflag:$0x2], $0x4000, $0x38;
	[tilespmem:$0x8000] =	vst v63  }
0x1e5: {  	_ =	swait.ge [sflag:s12], $0x4000  }
0x1e6: {  	[sflag:s12] =	ssyncset.done $0x0  }
0x1e7: {  	s1 =	rddreg [dreg:$0x7];
	[sflag:s12] =	ssyncadd.s32 $0xFFFFC000  }
0x1e8: {  	[tilespmem:s2], [sflag:$0x1] =	stream.linear.gather [hbm4b:s1+s2], $0x4000, $0x38;
	[tilespmem:$0x8000] =	vst v63  }
0x1e9: {  	_ =	swait.ge [sflag:s14], $0x4000  }
0x1ea: {  	[sflag:s14] =	ssyncset.done $0x0  }
0x1eb: {  	s30 =	rddreg [dreg:$0x8];
	[sflag:s14] =	ssyncadd.s32 $0xFFFFC000  }
0x1ec: {  	[hbm4b:s30+s2] =	stream.linear.scatter [tilespmem:s2], [sflag:$0x1], $0x4000, $0x38;
	[tilespmem:$0x8000] =	vst v63  }
0x1ed: {  	_ =	swait.ge [sflag:s14], $0x4000  }
0x1ee: {  	[sflag:s14] =	ssyncset.done $0x0  }
0x1ef: {  	s31 =	rddreg [dreg:$0x9];
	[sflag:s14] =	ssyncadd.s32 $0xFFFFC000  }
0x1f0: {  	[tilespmem:s15], [sflag:$0x2] =	stream.linear.gather [hbm4b:s31+s2], $0x4000, $0x38;
	[tilespmem:$0x8000] =	vst v63  }
0x1f1: {  	_ =	swait.ge [sflag:s12], $0x4000  }
0x1f2: {  	[sflag:s12] =	ssyncset.done $0x0  }
0x1f3: {  	s1 =	rddreg [dreg:$0xa];
	[sflag:s12] =	ssyncadd.s32 $0xFFFFC000  }
0x1f4: {  	[hbm4b:s1+s2] =	stream.linear.scatter [tilespmem:s15], [sflag:$0x2], $0x4000, $0x38;
	[tilespmem:$0x8000] =	vst v63  }
0x1f5: {  	_ =	swait.ge [sflag:s12], $0x4000  }
0x1f6: {  	[sflag:s12] =	ssyncset.done $0x0  }
0x1f7: {  	s30 =	rddreg [dreg:$0xb];
	[sflag:s12] =	ssyncadd.s32 $0xFFFFC000  }
0x1f8: {  	[tilespmem:s2], [sflag:$0x1] =	stream.linear.gather [hbm4b:s30+s2], $0x4000, $0x38;
	[tilespmem:$0x8000] =	vst v63  }
0x1f9: {  	_ =	swait.ge [sflag:s14], $0x4000  }
0x1fa: {  	[sflag:s14] =	ssyncset.done $0x0  }
0x1fb: {  	s31 =	rddreg [dreg:$0xc];
	[sflag:s14] =	ssyncadd.s32 $0xFFFFC000  }
0x1fc: {  	[hbm4b:s31+s2] =	stream.linear.scatter [tilespmem:s2], [sflag:$0x1], $0x4000, $0x38;
	[tilespmem:$0x8000] =	vst v63  }
0x1fd: {  	_ =	swait.ge [sflag:s14], $0x4000  }
0x1fe: {  	[sflag:s14] =	ssyncset.done $0x0  }
0x1ff: {  	s1 =	rddreg [dreg:$0xd];
	[sflag:s14] =	ssyncadd.s32 $0xFFFFC000  }
0x200: {  	[tilespmem:s15], [sflag:$0x2] =	stream.linear.gather [hbm4b:s1+s2], $0x4000, $0x38;
	[tilespmem:$0x8000] =	vst v63  }
0x201: {  	_ =	swait.ge [sflag:s12], $0x4000  }
0x202: {  	[sflag:s12] =	ssyncset.done $0x0  }
0x203: {  	s30 =	rddreg [dreg:$0xe];
	[sflag:s12] =	ssyncadd.s32 $0xFFFFC000  }
0x204: {  	[hbm4b:s30+s2] =	stream.linear.scatter [tilespmem:s15], [sflag:$0x2], $0x4000, $0x38;
	[tilespmem:$0x8000] =	vst v63  }
0x205: {  	_ =	swait.ge [sflag:s12], $0x4000  }
0x206: {  	[sflag:s12] =	ssyncset.done $0x0  }
0x207: {  	s31 =	rddreg [dreg:$0xf];
	[sflag:s12] =	ssyncadd.s32 $0xFFFFC000  }
0x208: {  	[tilespmem:s2], [sflag:$0x1] =	stream.linear.gather [hbm4b:s31+s2], $0x4000, $0x38;
	[tilespmem:$0x8000] =	vst v63  }
0x209: {  	_ =	swait.ge [sflag:s14], $0x4000  }
0x20a: {  	[sflag:s14] =	ssyncset.done $0x0  }
0x20b: {  	s1 =	rddreg [dreg:$0x10];
	[sflag:s14] =	ssyncadd.s32 $0xFFFFC000  }
0x20c: {  	[hbm4b:s1+s2] =	stream.linear.scatter [tilespmem:s2], [sflag:$0x1], $0x4000, $0x38;
	[tilespmem:$0x8000] =	vst v63  }
0x20d: {  	_ =	swait.ge [sflag:s14], $0x4000  }
0x20e: {  	[sflag:s14] =	ssyncset.done $0x0  }
0x20f: {  	s30 =	rddreg [dreg:$0x11];
	[sflag:s14] =	ssyncadd.s32 $0xFFFFC000  }
0x210: {  	[tilespmem:s15], [sflag:$0x2] =	stream.linear.gather [hbm4b:s30+s2], $0x4000, $0x38;
	[tilespmem:$0x8000] =	vst v63  }
0x211: {  	_ =	swait.ge [sflag:s12], $0x4000  }
0x212: {  	[sflag:s12] =	ssyncset.done $0x0  }
0x213: {  	s31 =	rddreg [dreg:$0x12];
	[sflag:s12] =	ssyncadd.s32 $0xFFFFC000  }
0x214: {  	[hbm4b:s31+s2] =	stream.linear.scatter [tilespmem:s15], [sflag:$0x2], $0x4000, $0x38;
	[tilespmem:$0x8000] =	vst v63  }
0x215: {  	_ =	swait.ge [sflag:s12], $0x4000  }
0x216: {  	[sflag:s12] =	ssyncset.done $0x0  }
0x217: {  	s1 =	rddreg [dreg:$0x13];
	[sflag:s12] =	ssyncadd.s32 $0xFFFFC000  }
0x218: {  	[tilespmem:s2], [sflag:$0x1] =	stream.linear.gather [hbm4b:s1+s2], $0x4000, $0x38;
	[tilespmem:$0x8000] =	vst v63  }
0x219: {  	_ =	swait.ge [sflag:s14], $0x4000  }
0x21a: {  	[sflag:s14] =	ssyncset.done $0x0  }
0x21b: {  	s30 =	rddreg [dreg:$0x14];
	[sflag:s14] =	ssyncadd.s32 $0xFFFFC000  }
0x21c: {  	[hbm4b:s30+s2] =	stream.linear.scatter [tilespmem:s2], [sflag:$0x1], $0x4000, $0x38;
	[tilespmem:$0x8000] =	vst v63  }
0x21d: {  	_ =	swait.ge [sflag:s14], $0x4000  }
0x21e: {  	[sflag:s14] =	ssyncset.done $0x0  }
0x21f: {  	s31 =	rddreg [dreg:$0x15];
	[sflag:s14] =	ssyncadd.s32 $0xFFFFC000  }
0x220: {  	[tilespmem:s15], [sflag:$0x2] =	stream.linear.gather [hbm4b:s31+s2], $0x4000, $0x38;
	[tilespmem:$0x8000] =	vst v63  }
0x221: {  	_ =	swait.ge [sflag:s12], $0x4000  }
0x222: {  	[sflag:s12] =	ssyncset.done $0x0  }
0x223: {  	s1 =	rddreg [dreg:$0x16];
	[sflag:s12] =	ssyncadd.s32 $0xFFFFC000  }
0x224: {  	[hbm4b:s1+s2] =	stream.linear.scatter [tilespmem:s15], [sflag:$0x2], $0x4000, $0x38;
	[tilespmem:$0x8000] =	vst v63  }
0x225: {  	_ =	swait.ge [sflag:s12], $0x4000  }
0x226: {  	[sflag:s12] =	ssyncset.done $0x0  }
0x227: {  	s30 =	rddreg [dreg:$0x17];
	[sflag:s12] =	ssyncadd.s32 $0xFFFFC000  }
0x228: {  	[tilespmem:s2], [sflag:$0x1] =	stream.linear.gather [hbm4b:s30+s2], $0x4000, $0x38;
	[tilespmem:$0x8000] =	vst v63  }
0x229: {  	_ =	swait.ge [sflag:s14], $0x4000  }
0x22a: {  	[sflag:s14] =	ssyncset.done $0x0  }
0x22b: {  	s31 =	rddreg [dreg:$0x18];
	[sflag:s14] =	ssyncadd.s32 $0xFFFFC000  }
0x22c: {  	[hbm4b:s31+s2] =	stream.linear.scatter [tilespmem:s2], [sflag:$0x1], $0x4000, $0x38;
	[tilespmem:$0x8000] =	vst v63  }
0x22d: {  	_ =	swait.ge [sflag:s14], $0x4000  }
0x22e: {  	[sflag:s14] =	ssyncset.done $0x0  }
0x22f: {  	s1 =	rddreg [dreg:$0x19];
	[sflag:s14] =	ssyncadd.s32 $0xFFFFC000  }
0x230: {  	[tilespmem:s15], [sflag:$0x2] =	stream.linear.gather [hbm4b:s1+s2], $0x4000, $0x38;
	[tilespmem:$0x8000] =	vst v63  }
0x231: {  	_ =	swait.ge [sflag:s12], $0x4000  }
0x232: {  	[sflag:s12] =	ssyncset.done $0x0  }
0x233: {  	s30 =	rddreg [dreg:$0x1a];
	[sflag:s12] =	ssyncadd.s32 $0xFFFFC000  }
0x234: {  	[hbm4b:s30+s2] =	stream.linear.scatter [tilespmem:s15], [sflag:$0x2], $0x4000, $0x38;
	[tilespmem:$0x8000] =	vst v63  }
0x235: {  	_ =	swait.ge [sflag:s12], $0x4000  }
0x236: {  	[sflag:s12] =	ssyncset.done $0x0  }
0x237: {  	s31 =	rddreg [dreg:$0x1b];
	[sflag:s12] =	ssyncadd.s32 $0xFFFFC000  }
0x238: {  	[tilespmem:s2], [sflag:$0x1] =	stream.linear.gather [hbm4b:s31+s2], $0x4000, $0x38;
	[tilespmem:$0x8000] =	vst v63  }
0x239: {  	_ =	swait.ge [sflag:s14], $0x4000  }
0x23a: {  	[sflag:s14] =	ssyncset.done $0x0  }
0x23b: {  	s1 =	rddreg [dreg:$0x1c];
	[sflag:s14] =	ssyncadd.s32 $0xFFFFC000  }
0x23c: {  	[hbm4b:s1+s2] =	stream.linear.scatter [tilespmem:s2], [sflag:$0x1], $0x4000, $0x38;
	[tilespmem:$0x8000] =	vst v63  }
0x23d: {  	_ =	swait.ge [sflag:s14], $0x4000  }
0x23e: {  	[sflag:s14] =	ssyncset.done $0x0  }
0x23f: {  	s30 =	rddreg [dreg:$0x1d];
	[sflag:s14] =	ssyncadd.s32 $0xFFFFC000  }
0x240: {  	[tilespmem:s15], [sflag:$0x2] =	stream.linear.gather [hbm4b:s30+s2], $0x4000, $0x38;
	[tilespmem:$0x8000] =	vst v63  }
0x241: {  	_ =	swait.ge [sflag:s12], $0x4000  }
0x242: {  	[sflag:s12] =	ssyncset.done $0x0  }
0x243: {  	s31 =	rddreg [dreg:$0x1e];
	[sflag:s12] =	ssyncadd.s32 $0xFFFFC000  }
0x244: {  	[hbm4b:s31+s2] =	stream.linear.scatter [tilespmem:s15], [sflag:$0x2], $0x4000, $0x38;
	[tilespmem:$0x8000] =	vst v63  }
0x245: {  	_ =	swait.ge [sflag:s12], $0x4000  }
0x246: {  	[sflag:s12] =	ssyncset.done $0x0  }
0x247: {  	s1 =	rddreg [dreg:$0x1f];
	[sflag:s12] =	ssyncadd.s32 $0xFFFFC000  }
0x248: {  	[tilespmem:s2], [sflag:$0x1] =	stream.linear.gather [hbm4b:s1+s2], $0x4000, $0x38;
	[tilespmem:$0x8000] =	vst v63  }
0x249: {  	_ =	swait.ge [sflag:s14], $0x4000  }
0x24a: {  	s30 =	sld [smem:$0x7FC]  }
0x24b: {  	[sflag:s14] =	ssyncset.done $0x0  }
0x24c: {  	[sflag:s14] =	ssyncadd.s32 $0xFFFFC000  }
0x24d: {  	[hbm4b:s30+s2] =	stream.linear.scatter [tilespmem:s2], [sflag:$0x1], $0x4000, $0x38;
	[tilespmem:$0x8000] =	vst v63  }
0x24e: {  	_ =	swait.ge [sflag:s14], $0x4000  }
0x24f: {  	s31 =	sld [smem:$0x7FD]  }
0x250: {  	[sflag:s14] =	ssyncset.done $0x0  }
0x251: {  	[sflag:s14] =	ssyncadd.s32 $0xFFFFC000  }
0x252: {  	[tilespmem:s15], [sflag:$0x2] =	stream.linear.gather [hbm4b:s31+s2], $0x4000, $0x38;
	[tilespmem:$0x8000] =	vst v63  }
0x253: {  	_ =	swait.ge [sflag:s12], $0x4000  }
0x254: {  	[sflag:s12] =	ssyncset.done $0x0  }
0x255: {  	[sflag:s12] =	ssyncadd.s32 $0xFFFFC000  }
0x256: {  	[hbm4b:s26+s2] =	stream.linear.scatter [tilespmem:s15], [sflag:$0x2], $0x4000, $0x38;
	[tilespmem:$0x8000] =	vst v63  }
0x257: {  	_ =	swait.ge [sflag:s12], $0x4000  }
0x258: {  	[sflag:s12] =	ssyncset.done $0x0  }
0x259: {  	[sflag:s12] =	ssyncadd.s32 $0xFFFFC000  }
0x25a: {  	[tilespmem:s2], [sflag:$0x1] =	stream.linear.gather [hbm4b:s25+s2], $0x4000, $0x38;
	[tilespmem:$0x8000] =	vst v63  }
0x25b: {  	_ =	swait.ge [sflag:s14], $0x4000  }
0x25c: {  	[sflag:s14] =	ssyncset.done $0x0  }
0x25d: {  	[sflag:s14] =	ssyncadd.s32 $0xFFFFC000  }
0x25e: {  	[hbm4b:s24+s2] =	stream.linear.scatter [tilespmem:s2], [sflag:$0x1], $0x4000, $0x38;
	[tilespmem:$0x8000] =	vst v63  }
0x25f: {  	_ =	swait.ge [sflag:s14], $0x4000  }
0x260: {  	[sflag:s14] =	ssyncset.done $0x0  }
0x261: {  	[sflag:s14] =	ssyncadd.s32 $0xFFFFC000  }
0x262: {  	[tilespmem:s15], [sflag:$0x2] =	stream.linear.gather [hbm4b:s23+s2], $0x4000, $0x38;
	[tilespmem:$0x8000] =	vst v63  }
0x263: {  	_ =	swait.ge [sflag:s12], $0x4000  }
0x264: {  	[sflag:s12] =	ssyncset.done $0x0  }
0x265: {  	[sflag:s12] =	ssyncadd.s32 $0xFFFFC000  }
0x266: {  	[hbm4b:s22+s2] =	stream.linear.scatter [tilespmem:s15], [sflag:$0x2], $0x4000, $0x38;
	[tilespmem:$0x8000] =	vst v63  }
0x267: {  	_ =	swait.ge [sflag:s12], $0x4000  }
0x268: {  	[sflag:s12] =	ssyncset.done $0x0  }
0x269: {  	[sflag:s12] =	ssyncadd.s32 $0xFFFFC000  }
0x26a: {  	[tilespmem:s2], [sflag:$0x1] =	stream.linear.gather [hbm4b:s21+s2], $0x4000, $0x38;
	[tilespmem:$0x8000] =	vst v63  }
0x26b: {  	_ =	swait.ge [sflag:s14], $0x4000  }
0x26c: {  	[sflag:s14] =	ssyncset.done $0x0  }
0x26d: {  	[sflag:s14] =	ssyncadd.s32 $0xFFFFC000  }
0x26e: {  	[hbm4b:s20+s2] =	stream.linear.scatter [tilespmem:s2], [sflag:$0x1], $0x4000, $0x38;
	[tilespmem:$0x8000] =	vst v63  }
0x26f: {  	_ =	swait.ge [sflag:s14], $0x4000  }
0x270: {  	[sflag:s14] =	ssyncset.done $0x0  }
0x271: {  	[sflag:s14] =	ssyncadd.s32 $0xFFFFC000  }
0x272: {  	[tilespmem:s15], [sflag:$0x2] =	stream.linear.gather [hbm4b:s19+s2], $0x4000, $0x38;
	[tilespmem:$0x8000] =	vst v63  }
0x273: {  	_ =	swait.ge [sflag:s12], $0x4000  }
0x274: {  	[sflag:s12] =	ssyncset.done $0x0  }
0x275: {  	[sflag:s12] =	ssyncadd.s32 $0xFFFFC000  }
0x276: {  	[hbm4b:s18+s2] =	stream.linear.scatter [tilespmem:s15], [sflag:$0x2], $0x4000, $0x38;
	[tilespmem:$0x8000] =	vst v63  }
0x277: {  	_ =	swait.ge [sflag:s12], $0x4000  }
0x278: {  	[sflag:s12] =	ssyncset.done $0x0  }
0x279: {  	[sflag:s12] =	ssyncadd.s32 $0xFFFFC000  }
0x27a: {  	[tilespmem:s2], [sflag:$0x1] =	stream.linear.gather [hbm4b:s17+s2], $0x4000, $0x38;
	[tilespmem:$0x8000] =	vst v63  }
0x27b: {  	_ =	swait.ge [sflag:s14], $0x4000  }
0x27c: {  	[sflag:s14] =	ssyncset.done $0x0  }
0x27d: {  	[sflag:s14] =	ssyncadd.s32 $0xFFFFC000  }
0x27e: {  	[hbm4b:s16+s2] =	stream.linear.scatter [tilespmem:s2], [sflag:$0x1], $0x4000, $0x38;
	[tilespmem:$0x8000] =	vst v63  }
0x27f: {  	_ =	swait.ge [sflag:s14], $0x4000  }
0x280: {  	[sflag:s14] =	ssyncset.done $0x0  }
0x281: {  	[sflag:s14] =	ssyncadd.s32 $0xFFFFC000  }
0x282: {  	[tilespmem:s15], [sflag:$0x2] =	stream.linear.gather [hbm4b:s13+s2], $0x4000, $0x38;
	[tilespmem:$0x8000] =	vst v63  }
0x283: {  	_ =	swait.ge [sflag:s12], $0x4000  }
0x284: {  	[sflag:s12] =	ssyncset.done $0x0  }
0x285: {  	[sflag:s12] =	ssyncadd.s32 $0xFFFFC000  }
0x286: {  	[hbm4b:s11+s2] =	stream.linear.scatter [tilespmem:s15], [sflag:$0x2], $0x4000, $0x38;
	[tilespmem:$0x8000] =	vst v63  }
0x287: {  	_ =	swait.ge [sflag:s12], $0x4000  }
0x288: {  	[sflag:s12] =	ssyncset.done $0x0  }
0x289: {  	[sflag:s12] =	ssyncadd.s32 $0xFFFFC000  }
0x28a: {  	[tilespmem:s2], [sflag:$0x1] =	stream.linear.gather [hbm4b:s10+s2], $0x4000, $0x38;
	[tilespmem:$0x8000] =	vst v63  }
0x28b: {  	_ =	swait.ge [sflag:s14], $0x4000  }
0x28c: {  	[sflag:s14] =	ssyncset.done $0x0  }
0x28d: {  	[sflag:s14] =	ssyncadd.s32 $0xFFFFC000  }
0x28e: {  	[hbm4b:s9+s2] =	stream.linear.scatter [tilespmem:s2], [sflag:$0x1], $0x4000, $0x38;
	[tilespmem:$0x8000] =	vst v63  }
0x28f: {  	_ =	swait.ge [sflag:s14], $0x4000  }
0x290: {  	[sflag:s14] =	ssyncset.done $0x0  }
0x291: {  	[sflag:s14] =	ssyncadd.s32 $0xFFFFC000  }
0x292: {  	[tilespmem:s15], [sflag:$0x2] =	stream.linear.gather [hbm4b:s8+s2], $0x4000, $0x38;
	[tilespmem:$0x8000] =	vst v63  }
0x293: {  	_ =	swait.ge [sflag:s12], $0x4000  }
0x294: {  	[sflag:s12] =	ssyncset.done $0x0  }
0x295: {  	[sflag:s12] =	ssyncadd.s32 $0xFFFFC000  }
0x296: {  	[hbm4b:s7+s2] =	stream.linear.scatter [tilespmem:s15], [sflag:$0x2], $0x4000, $0x38;
	[tilespmem:$0x8000] =	vst v63  }
0x297: {  	_ =	swait.ge [sflag:s12], $0x4000  }
0x298: {  	[sflag:s12] =	ssyncset.done $0x0  }
0x299: {  	s0 =	simm.s32 @!p1 $0x0;
	s1 =	simm.s32 @!p1 $0x1;
	[sflag:s12] =	ssyncadd.s32 $0xFFFFC000  }
0x29a: {  	[tilespmem:s0], [sflag:$0x1] =	stream.linear.gather @!p1 [hbm4b:s6+s0], $0x1000, $0x38;
	[tilespmem:$0x8000] =	vst v63  }
0x29b: {  	_ =	swait.ge @!p1 [sflag:s1], $0x1000  }
0x29c: {  	[sflag:s1] =	ssyncset.done @!p1 $0x0  }
0x29d: {  	[sflag:s1] =	ssyncadd.s32 @!p1 $0xFFFFF000  }
0x29e: {  	[hbm4b:s5+s0] =	stream.linear.scatter @!p1 [tilespmem:s0], [sflag:$0x1], $0x1000, $0x38;
	[tilespmem:$0x8000] =	vst v63  }
0x29f: {  	_ =	swait.ge @!p1 [sflag:s1], $0x1000  }
0x2a0: {  	[sflag:s1] =	ssyncset.done @!p1 $0x0  }
0x2a1: {  	s0 =	simm.s32 @!p0 $0x0;
	[sflag:s1] =	ssyncadd.s32 @!p1 $0xFFFFF000;
	s1 =	simm.s32 @!p0 $0x1  }
0x2a2: {  	[tilespmem:s0], [sflag:$0x1] =	stream.linear.gather @!p0 [hbm4b:s4+s0], $0x4000, $0x38;
	[tilespmem:$0x8000] =	vst v63  }
0x2a3: {  	_ =	swait.ge @!p0 [sflag:s1], $0x4000  }
0x2a4: {  	[sflag:s1] =	ssyncset.done @!p0 $0x0  }
0x2a5: {  	[sflag:s1] =	ssyncadd.s32 @!p0 $0xFFFFC000  }
0x2a6: {  	[hbm4b:s3+s0] =	stream.linear.scatter @!p0 [tilespmem:s0], [sflag:$0x1], $0x4000, $0x38;
	[tilespmem:$0x8000] =	vst v63  }
0x2a7: {  	_ =	swait.ge @!p0 [sflag:s1], $0x4000  }
0x2a8: {  	[sflag:s1] =	ssyncset.done @!p0 $0x0  }
0x2a9: {  	[sflag:s1] =	ssyncadd.s32 @!p0 $0xFFFFC000  }
0x2aa: {  	_ =	sfence.sel $0x180000  }
0x2ab: {  	[bflag:$0x0] =	sbarrier.arrive $0xFFFF  }
0x2ac: {  	p0 =	sne.s32 s28, $0x0;
	_ =	strace $0x90000047  }
0x2ad: {  	s0 =	sadd.s32 @!p0 $0x100000, s29;
	[bflag:$0x2] =	sbarrier.arrive $0xFFFF  }
0x2ae: {  	[sflag:s0] =	ssyncadd.tile.s32 @!p0 $0x1;
	_ =	shalt  }
.LBB2_1:
.Ltmp3:
0x2af: {  	(pc) =	sbr.rel .LBB2_6-.Ltmp3, $2  }
0x2b0: {  	_ =	sdelay $0x2  }
0x2b1: {  	_ = 	snop  }
.LBB2_3:
.Ltmp4:
0x2b2: {  	(pc) =	sbr.rel .LBB2_6-.Ltmp4, $2  }
0x2b3: {  	_ =	sdelay $0x2  }
0x2b4: {  	s28 =	stileid.u32;
	s29 =	rddreg [dreg:$0x2]  }
.Lfunc_end2:
_tile_overlayer_lowered:
.L_overlay_start_2:
0x2b5: {  	(tag) =	ssettag $0x2  }
0x2b6: {  	s0 =	rddreg [dreg:$0x0];
	s2 =	stileid.u32  }
0x2b7: {  	s1 =	rddreg [dreg:$0x1];
	p0 =	sne.s32 s2, $0x0  }
0x2b8: {  	s3 =	rddreg [dreg:$0x2];
	[bflag:$0x3] =	sbarrier.arrive $0xFFFF;
	s2 =	simm.s32 @!p0 $0x1C03  }
0x2b9: {  	[timem:s3], [sflag:s2] =	dma.local @!p0 [hbm:s0], s1  }
0x2ba: {  	s0 =	simm.s32 @!p0 $0x3  }
0x2bb: {  	_ =	swait.ge @!p0 [sflag:s0], s1  }
0x2bc: {  	s1 =	ssub.s32 @!p0 $0x0, s1;
	[sflag:s0] =	ssyncset.done @!p0 $0x0  }
0x2bd: {  	[sflag:s0] =	ssyncadd.s32 @!p0 s1  }
0x2be: {  	[bflag:$0x3] =	sbarrier.arrive $0xFFFF  }
0x2bf: {  	_ =	shalt  }

</sc_bundles>
